<compile_context>
chip_gen: v7x
topology: tpu7x:2x2x1
jax: 0.10.2.dev20260603
libtpu: 0.0.44.dev20260713+nightly
codegen_flags: <defaults>
</compile_context>

<pallas_src>
import functools

import jax
import jax.numpy as jnp
import numpy as np
from jax import lax
from jax.experimental import pallas as pl
from jax.experimental.pallas import tpu as pltpu
from jax.experimental.pallas import tpu_sc as plsc

_BN_S = float(1.0 / np.sqrt(1.0 + 1e-5))
_R2_1 = float(0.025 * 0.025)
_R2_2 = float(0.05 * 0.05)
_NEG = -1e30


def _fpsbq_body(px_ref, py_ref, pz_ref, idx_ref, cx_ref, cy_ref, cz_ref,
                nidx_ref, *, npoint, r2, nsample, boff0):
    B, N = px_ref.shape
    px = px_ref[...]
    py = py_ref[...]
    pz = pz_ref[...]
    col = lax.broadcasted_iota(jnp.int32, (B, N), 1).astype(jnp.float32)
    colp = lax.broadcasted_iota(jnp.int32, (B, npoint), 1).astype(jnp.float32)
    cols = lax.broadcasted_iota(jnp.int32, (B, nsample), 1).astype(jnp.float32)
    del boff0
    boff = lax.broadcasted_iota(jnp.int32, (B, nsample), 0) * N
    fN = float(N)

    def body(i, state):
        far, dists, idx_a, cx_a, cy_a, cz_a = state
        sel = col == far
        cx = jnp.sum(jnp.where(sel, px, 0.0), axis=1, keepdims=True)
        cy = jnp.sum(jnp.where(sel, py, 0.0), axis=1, keepdims=True)
        cz = jnp.sum(jnp.where(sel, pz, 0.0), axis=1, keepdims=True)
        hit = colp == i.astype(jnp.float32)
        idx_a = jnp.where(hit, far, idx_a)
        cx_a = jnp.where(hit, cx, cx_a)
        cy_a = jnp.where(hit, cy, cy_a)
        cz_a = jnp.where(hit, cz, cz_a)
        d = (px - cx) ** 2 + (py - cy) ** 2 + (pz - cz) ** 2
        within = d < r2
        cnt = jnp.sum(jnp.where(within, 1.0, 0.0), axis=1, keepdims=True)
        cap = jnp.minimum(jnp.max(cnt), float(nsample)).astype(jnp.int32)
        cand0 = jnp.where(within, col, fN)

        def bq_cond(st):
            return st[0] < cap

        def bq_body(st):
            s, cand, acc = st
            m = jnp.min(cand, axis=1, keepdims=True)
            acc = jnp.where(cols == s.astype(jnp.float32), m, acc)
            cand = jnp.where(cand == m, fN, cand)
            return s + 1, cand, acc

        _, _, acc = lax.while_loop(
            bq_cond, bq_body, (jnp.int32(0), cand0, d[:, :nsample] * 0.0 + fN))
        acc = jnp.where(acc == fN, acc[:, 0:1], acc)
        nidx_ref[pl.ds(i, 1)] = (acc.astype(jnp.int32) + boff)[None]
        dists = jnp.minimum(dists, d)
        mx = jnp.max(dists, axis=1, keepdims=True)
        far = jnp.min(jnp.where(dists == mx, col, fN),
                      axis=1, keepdims=True)
        return far, dists, idx_a, cx_a, cy_a, cz_a

    zp = px[:, :npoint] * 0.0
    state = (
        px[:, :1] * 0.0,
        px * 0.0 + 1e10,
        zp, zp, zp, zp,
    )
    _, _, idx_a, cx_a, cy_a, cz_a = lax.fori_loop(0, npoint, body, state)
    idx_ref[...] = idx_a.astype(jnp.int32)
    cx_ref[...] = cx_a
    cy_ref[...] = cy_a
    cz_ref[...] = cz_a


def _fpsbq(px, py, pz, npoint, r2, nsample):
    B, N = px.shape
    f = jnp.float32
    return pl.pallas_call(
        functools.partial(_fpsbq_body, npoint=npoint, r2=r2,
                          nsample=nsample, boff0=0),
        out_shape=(
            jax.ShapeDtypeStruct((B, npoint), jnp.int32),
            jax.ShapeDtypeStruct((B, npoint), f),
            jax.ShapeDtypeStruct((B, npoint), f),
            jax.ShapeDtypeStruct((B, npoint), f),
            jax.ShapeDtypeStruct((npoint, B, nsample), jnp.int32),
        ),
    )(px, py, pz)


def _fps_body(px_ref, py_ref, pz_ref, idx_ref, cx_ref, cy_ref, cz_ref, *,
              npoint):
    B, N = px_ref.shape
    px = px_ref[...]
    py = py_ref[...]
    pz = pz_ref[...]
    col = lax.broadcasted_iota(jnp.int32, (B, N), 1).astype(jnp.float32)
    colp = lax.broadcasted_iota(jnp.int32, (B, npoint), 1).astype(jnp.float32)

    def body(i, state):
        far, dists, idx_a, cx_a, cy_a, cz_a = state
        sel = col == far
        cx = jnp.sum(jnp.where(sel, px, 0.0), axis=1, keepdims=True)
        cy = jnp.sum(jnp.where(sel, py, 0.0), axis=1, keepdims=True)
        cz = jnp.sum(jnp.where(sel, pz, 0.0), axis=1, keepdims=True)
        hit = colp == i.astype(jnp.float32)
        idx_a = jnp.where(hit, far, idx_a)
        cx_a = jnp.where(hit, cx, cx_a)
        cy_a = jnp.where(hit, cy, cy_a)
        cz_a = jnp.where(hit, cz, cz_a)
        d = (px - cx) ** 2 + (py - cy) ** 2 + (pz - cz) ** 2
        dists = jnp.minimum(dists, d)
        mx = jnp.max(dists, axis=1, keepdims=True)
        far = jnp.min(jnp.where(dists == mx, col, float(N)),
                      axis=1, keepdims=True)
        return far, dists, idx_a, cx_a, cy_a, cz_a

    zp = px[:, :npoint] * 0.0
    state = (
        px[:, :1] * 0.0,
        px * 0.0 + 1e10,
        zp, zp, zp, zp,
    )
    _, _, idx_a, cx_a, cy_a, cz_a = lax.fori_loop(0, npoint, body, state)
    idx_ref[...] = idx_a.astype(jnp.int32)
    cx_ref[...] = cx_a
    cy_ref[...] = cy_a
    cz_ref[...] = cz_a


def _fps(px, py, pz, npoint):
    B, N = px.shape
    f = jnp.float32
    return pl.pallas_call(
        functools.partial(_fps_body, npoint=npoint),
        out_shape=(
            jax.ShapeDtypeStruct((B, npoint), jnp.int32),
            jax.ShapeDtypeStruct((B, npoint), f),
            jax.ShapeDtypeStruct((B, npoint), f),
            jax.ShapeDtypeStruct((B, npoint), f),
        ),
    )(px, py, pz)


def _bq_body(px_ref, py_ref, pz_ref, cx_ref, cy_ref, cz_ref, out_ref, *,
             r2, nsample):
    b = pl.program_id(0)
    npoint = cx_ref.shape[1]
    N = px_ref.shape[-1]
    px = px_ref[0]
    py = py_ref[0]
    pz = pz_ref[0]
    cx = cx_ref[0]
    cy = cy_ref[0]
    cz = cz_ref[0]
    d2 = (cx - px) ** 2 + (cy - py) ** 2 + (cz - pz) ** 2
    col = lax.broadcasted_iota(jnp.int32, (npoint, N), 1).astype(jnp.float32)
    cols = lax.broadcasted_iota(jnp.int32, (npoint, nsample), 1).astype(jnp.float32)
    fN = float(N)
    within = d2 < r2
    cand0 = jnp.where(within, col, fN)
    cnt = jnp.sum(jnp.where(within, 1.0, 0.0), axis=1, keepdims=True)
    cap = jnp.minimum(jnp.max(cnt), float(nsample)).astype(jnp.int32)

    def cond(state):
        s, _, _ = state
        return s < cap

    def body(state):
        s, cand, acc = state
        m = jnp.min(cand, axis=1, keepdims=True)
        acc = jnp.where(cols == s.astype(jnp.float32), m, acc)
        cand = jnp.where(cand == m, fN, cand)
        return s + 1, cand, acc

    _, _, acc = lax.while_loop(
        cond, body, (jnp.int32(0), cand0, d2[:, :nsample] * 0.0 + fN))
    acc = jnp.where(acc == fN, acc[:, 0:1], acc)
    out_ref[0] = acc.astype(jnp.int32) + b * N


def _bq(px, py, pz, cx, cy, cz, r2, nsample):
    B, N = px.shape
    npoint = cx.shape[1]
    pts = pl.BlockSpec((1, 1, N), lambda b: (b, 0, 0))
    cen = pl.BlockSpec((1, npoint, 1), lambda b: (b, 0, 0))
    return pl.pallas_call(
        functools.partial(_bq_body, r2=r2, nsample=nsample),
        grid=(B,),
        in_specs=[pts, pts, pts, cen, cen, cen],
        out_specs=pl.BlockSpec((1, npoint, nsample), lambda b: (b, 0, 0)),
        out_shape=jax.ShapeDtypeStruct((B, npoint, nsample), jnp.int32),
    )(px.reshape(B, 1, N), py.reshape(B, 1, N), pz.reshape(B, 1, N),
      cx.reshape(B, npoint, 1), cy.reshape(B, npoint, 1),
      cz.reshape(B, npoint, 1))


def _sc_gather(table, idx):
    info = plsc.get_sparse_core_info()
    nw = info.num_cores * info.num_subcores
    R = idx.shape[0]
    D = table.shape[1]
    chunk = 128
    n_chunks = R // (nw * chunk)
    idx2 = idx.reshape(nw * n_chunks, chunk)
    mesh = plsc.VectorSubcoreMesh(core_axis_name="c", subcore_axis_name="s")

    @functools.partial(
        pl.kernel,
        mesh=mesh,
        compiler_params=pltpu.CompilerParams(use_tc_tiling_on_sc=False),
        out_type=jax.ShapeDtypeStruct((nw * n_chunks, chunk, D),
                                      jnp.float32),
        scratch_types=[
            pltpu.VMEM((n_chunks, chunk), jnp.int32),
            pltpu.VMEM((n_chunks, chunk, D), jnp.float32),
            pltpu.SemaphoreType.DMA,
        ],
    )
    def k(table_hbm, idx_hbm, out_hbm, idx_v, rows_v, sem):
        wid = lax.axis_index("s") * info.num_cores + lax.axis_index("c")
        base = wid * n_chunks
        pltpu.sync_copy(idx_hbm.at[pl.ds(base, n_chunks)], idx_v)

        def fire(j, carry):
            pltpu.async_copy(table_hbm.at[idx_v.at[j]], rows_v.at[j], sem)
            return carry

        lax.fori_loop(0, n_chunks, fire, 0)

        def drain(j, carry):
            pltpu.make_async_copy(
                table_hbm.at[idx_v.at[j]], rows_v.at[j], sem).wait()
            return carry

        lax.fori_loop(0, n_chunks, drain, 0)
        pltpu.sync_copy(rows_v, out_hbm.at[pl.ds(base, n_chunks)])

    return k(table, idx2).reshape(R, D)


def _mlp1_body(rows_ref, cen_ref, w1_ref, w1bd_ref, w2_ref, w3_ref,
               out_ref):
    C = cen_ref.shape[1]
    x = rows_ref[0]
    cen = cen_ref[0]
    y = jnp.dot(x, w1bd_ref[...],
                preferred_element_type=jnp.float32)
    y = y.reshape(C * 32, 128)
    bc = jnp.dot(cen, w1_ref[...],
                 preferred_element_type=jnp.float32)
    bc = jnp.broadcast_to(bc[:, None, :], (C, 32, 64)).reshape(C * 32, 64)
    bc = jnp.concatenate([bc, bc], axis=1)
    y = jnp.maximum((y - bc) * _BN_S, 0.0)
    y = jnp.maximum(
        jnp.dot(y, w2_ref[...], preferred_element_type=jnp.float32) * _BN_S,
        0.0)
    y = jnp.maximum(
        jnp.dot(y, w3_ref[...], preferred_element_type=jnp.float32) * _BN_S,
        0.0)
    y = y.reshape(C * 64, 128)
    out_ref[0] = jnp.max(y.reshape(C, 64, 128), axis=1)


def _mlp1(rows, cen, w1, w1bd, w2bd, w3bd):
    B, C = cen.shape[0], cen.shape[1]
    full = lambda s: pl.BlockSpec(s, lambda b: (0, 0))
    return pl.pallas_call(
        _mlp1_body,
        grid=(B,),
        in_specs=[
            pl.BlockSpec((1, C * 4, 128), lambda b: (b, 0, 0)),
            pl.BlockSpec((1, C, 8), lambda b: (b, 0, 0)),
            full(w1.shape), full(w1bd.shape), full(w2bd.shape),
            full(w3bd.shape),
        ],
        out_specs=pl.BlockSpec((1, C, 128), lambda b: (b, 0, 0)),
        out_shape=jax.ShapeDtypeStruct((B, C, 128), jnp.float32),
        compiler_params=pltpu.CompilerParams(
            dimension_semantics=("parallel",)),
    )(rows, cen, w1, w1bd, w2bd, w3bd)


def _sa2_body(f_ref, pxc_ref, pyc_ref, pzc_ref, pxr_ref, pyr_ref, pzr_ref,
              c2x_ref, c2y_ref, c2z_ref, w1f_ref, w1p_ref, w2_ref, w3_ref,
              out_ref):
    NP = f_ref.shape[1]
    M = c2x_ref.shape[1]
    F = f_ref[0]
    pxc, pyc, pzc = pxc_ref[0], pyc_ref[0], pzc_ref[0]
    pxr, pyr, pzr = pxr_ref[0], pyr_ref[0], pzr_ref[0]
    c2x, c2y, c2z = c2x_ref[0], c2y_ref[0], c2z_ref[0]
    w1x = w1p_ref[0:1, :]
    w1y = w1p_ref[1:2, :]
    w1z = w1p_ref[2:3, :]
    A = jnp.dot(F, w1f_ref[...], preferred_element_type=jnp.float32)
    A = A + pxc * w1x + pyc * w1y + pzc * w1z
    Bc = -(c2x * w1x + c2y * w1y + c2z * w1z)
    x = jnp.maximum((A[None, :, :] + Bc[:, None, :]) * _BN_S, 0.0)
    x = x.reshape(M * NP, 128)
    x = jnp.maximum(
        jnp.dot(x, w2_ref[...], preferred_element_type=jnp.float32) * _BN_S,
        0.0)
    x = jnp.maximum(
        jnp.dot(x, w3_ref[...], preferred_element_type=jnp.float32) * _BN_S,
        0.0)
    d2 = (c2x - pxr) ** 2 + (c2y - pyr) ** 2 + (c2z - pzr) ** 2
    pen = jnp.where(d2 < _R2_2, 0.0, _NEG)
    x = x.reshape(M, NP, 256) + pen[:, :, None]
    out_ref[0] = jnp.max(x, axis=1)


def _sa2(feat1, pxc, pyc, pzc, pxr, pyr, pzr, c2x, c2y, c2z,
         w1f, w1p, w2, w3):
    B, NP = feat1.shape[0], feat1.shape[1]
    M = c2x.shape[1]
    colc = pl.BlockSpec((1, NP, 1), lambda b: (b, 0, 0))
    rowc = pl.BlockSpec((1, 1, NP), lambda b: (b, 0, 0))
    cen = pl.BlockSpec((1, M, 1), lambda b: (b, 0, 0))
    full = lambda s: pl.BlockSpec(s, lambda b: (0, 0))
    return pl.pallas_call(
        _sa2_body,
        grid=(B,),
        in_specs=[
            pl.BlockSpec((1, NP, 128), lambda b: (b, 0, 0)),
            colc, colc, colc, rowc, rowc, rowc, cen, cen, cen,
            full(w1f.shape), full(w1p.shape), full(w2.shape), full(w3.shape),
        ],
        out_specs=pl.BlockSpec((1, M, 256), lambda b: (b, 0, 0)),
        out_shape=jax.ShapeDtypeStruct((B, M, 256), jnp.float32),
        compiler_params=pltpu.CompilerParams(
            dimension_semantics=("parallel",)),
    )(feat1, pxc, pyc, pzc, pxr, pyr, pzr, c2x, c2y, c2z, w1f, w1p, w2, w3)


def _sa3fc_body(f_ref, cx_ref, cy_ref, cz_ref, w1f_ref, w1p_ref, w2_ref,
                w3_ref, wf1_ref, b1_ref, wf2_ref, b2_ref, wf3_ref, b3_ref,
                out_ref):
    B, M = f_ref.shape[0], f_ref.shape[1]
    F = f_ref[...].reshape(B * M, 256)
    cx = cx_ref[...].reshape(B * M, 1)
    cy = cy_ref[...].reshape(B * M, 1)
    cz = cz_ref[...].reshape(B * M, 1)
    w1x = w1p_ref[0:1, :]
    w1y = w1p_ref[1:2, :]
    w1z = w1p_ref[2:3, :]
    A = jnp.dot(F, w1f_ref[...], preferred_element_type=jnp.float32)
    A = A + cx * w1x + cy * w1y + cz * w1z
    x = jnp.maximum(A * _BN_S, 0.0)
    x = jnp.maximum(
        jnp.dot(x, w2_ref[...], preferred_element_type=jnp.float32) * _BN_S,
        0.0)
    x = jnp.maximum(
        jnp.dot(x, w3_ref[...], preferred_element_type=jnp.float32) * _BN_S,
        0.0)
    g = jnp.max(x.reshape(B, M, 1024), axis=1)
    h = jnp.maximum(
        (jnp.dot(g, wf1_ref[...], preferred_element_type=jnp.float32)
         + b1_ref[...]) * _BN_S, 0.0)
    h = jnp.maximum(
        (jnp.dot(h, wf2_ref[...], preferred_element_type=jnp.float32)
         + b2_ref[...]) * _BN_S, 0.0)
    o = (jnp.dot(h, wf3_ref[...], preferred_element_type=jnp.float32)
         + b3_ref[...])
    out_ref[...] = 1.0 / (1.0 + jnp.exp(-o))


def _sa3fc(feat2, cx, cy, cz, w1f, w1p, w2, w3, wf1, b1, wf2, b2, wf3, b3):
    B = feat2.shape[0]
    return pl.pallas_call(
        _sa3fc_body,
        out_shape=jax.ShapeDtypeStruct((B, 1), jnp.float32),
    )(feat2, cx, cy, cz, w1f, w1p, w2, w3, wf1, b1, wf2, b2, wf3, b3)


def _pad_xyz_rows(w, width):
    t = w[:, :3].T
    return jnp.concatenate(
        [t, jnp.zeros((8 - 3, width), jnp.float32)], axis=0)


def kernel(pc, pc_features, params):
    B, N, _ = pc.shape
    f32 = jnp.float32
    px, py, pz = pc[:, :, 0], pc[:, :, 1], pc[:, :, 2]

    idx1, cx1, cy1, cz1, nidx_t = _fpsbq(px, py, pz, 128, _R2_1, 64)
    nidx = jnp.transpose(nidx_t, (1, 0, 2))

    table = jnp.stack(
        [px, py, pz, pc_features[:, 0], pc_features[:, 1],
         pc_features[:, 2], pc_features[:, 3],
         jnp.zeros((B, N), f32)], axis=0).reshape(8, B * N).T
    rows = _sc_gather(table, nidx.reshape(-1))

    cen1 = jnp.concatenate(
        [cx1[..., None], cy1[..., None], cz1[..., None],
         jnp.zeros((B, 128, 5), f32)], axis=-1)
    w1a, w2a, w3a = params['sa1']
    w1p = jnp.concatenate(
        [w1a.T, jnp.zeros((1, 64), f32)], axis=0)
    w1bd = jax.scipy.linalg.block_diag(*([w1p] * 16))
    w2bd = jax.scipy.linalg.block_diag(w2a.T, w2a.T)
    w3bd = jax.scipy.linalg.block_diag(w3a.T, w3a.T)
    feat1 = _mlp1(rows.reshape(B, 512, 128), cen1, w1p, w1bd, w2bd, w3bd)

    idx2, cx2, cy2, cz2 = _fps(cx1, cy1, cz1, 32)
    w1b, w2b, w3b = params['sa2']
    feat2 = _sa2(
        feat1,
        cx1.reshape(B, 128, 1), cy1.reshape(B, 128, 1), cz1.reshape(B, 128, 1),
        cx1.reshape(B, 1, 128), cy1.reshape(B, 1, 128), cz1.reshape(B, 1, 128),
        cx2.reshape(B, 32, 1), cy2.reshape(B, 32, 1), cz2.reshape(B, 32, 1),
        w1b[:, 3:].T, _pad_xyz_rows(w1b, 128), w2b.T, w3b.T)

    w1c, w2c, w3c = params['sa3']
    wf1, b1, wf2, b2, wf3, b3 = params['fc']
    return _sa3fc(
        feat2,
        cx2.reshape(B, 32, 1), cy2.reshape(B, 32, 1), cz2.reshape(B, 32, 1),
        w1c[:, 3:].T, _pad_xyz_rows(w1c, 256), w2c.T, w3c.T,
        wf1.T, b1.reshape(1, 1024), wf2.T, b2.reshape(1, 1024),
        wf3.T, b3.reshape(1, 1))

# --- scband reference (transcript-rebuilt; emitter-appended) ---
"""Pipeline reference for scband-pruning-network-66340064854369 (READ-ONLY COPY).

The authoritative reference and input builder live on the scoring server;
editing this copy changes nothing except your own understanding.
"""

import jax, jax.numpy as jnp
import numpy as np

BN_S = float(1.0 / np.sqrt(1.0 + 1e-5))


def fps(xyz, npoint):
    B, N, _ = xyz.shape

    def body(i, state):
        idxs, dists, far = state
        idxs = idxs.at[:, i].set(far)
        centroid = jnp.take_along_axis(xyz, far[:, None, None], axis=1)
        d = jnp.sum((xyz - centroid) ** 2, axis=-1)
        dists = jnp.minimum(dists, d)
        far = jnp.argmax(dists, axis=-1).astype(jnp.int32)
        return (idxs, dists, far)

    idxs = jnp.zeros((B, npoint), dtype=jnp.int32)
    dists = jnp.full((B, N), 1e10, dtype=xyz.dtype)
    far = jnp.zeros((B,), dtype=jnp.int32)
    idxs, _, _ = jax.lax.fori_loop(0, npoint, body, (idxs, dists, far))
    return idxs


def ball_query(radius, nsample, xyz, new_xyz):
    N = xyz.shape[1]
    d2 = jnp.sum((new_xyz[:, :, None, :] - xyz[:, None, :, :]) ** 2, axis=-1)
    within = d2 < radius * radius
    ar = jnp.arange(N)
    key = jnp.where(within, ar[None, None, :], N + ar[None, None, :])
    order = jnp.argsort(key, axis=-1)
    idx = order[:, :, :nsample]
    cnt = jnp.sum(within, axis=-1, keepdims=True)
    first = idx[:, :, :1]
    rank = jnp.arange(nsample)[None, None, :]
    idx = jnp.where(rank < cnt, idx, first)
    return idx


def shared_mlp(x, ws):
    for W in ws:
        x = jnp.einsum('oc,bcsn->bosn', W, x)
        x = jax.nn.relu(x * BN_S)
    return x


def sa_module(xyz, features, npoint, radius, nsample, ws):
    if npoint is None:
        grouped = jnp.concatenate([jnp.transpose(xyz, (0, 2, 1))[:, :, None, :], features[:, :, None, :]], axis=1)
        new_xyz = None
    else:
        fps_idx = fps(jax.lax.stop_gradient(xyz), npoint)
        new_xyz = jnp.take_along_axis(xyz, fps_idx[:, :, None], axis=1)
        idx = ball_query(radius, nsample, jax.lax.stop_gradient(xyz), jax.lax.stop_gradient(new_xyz))
        g_xyz = jax.vmap(lambda p, i: p[i])(xyz, idx)
        g_xyz = g_xyz - new_xyz[:, :, None, :]
        g_xyz = jnp.transpose(g_xyz, (0, 3, 1, 2))
        g_feat = jax.vmap(lambda f, i: f[:, i])(features, idx)
        grouped = jnp.concatenate([g_xyz, g_feat], axis=1)
    out = shared_mlp(grouped, ws)
    out = jnp.max(out, axis=-1)
    return new_xyz, out


def fc_head(x, fc):
    W1, b1, W2, b2, W3, b3 = fc
    x = jax.nn.relu((x @ W1.T + b1) * BN_S)
    x = jax.nn.relu((x @ W2.T + b2) * BN_S)
    x = x @ W3.T + b3
    return jax.nn.sigmoid(x)


def forward(pc, pc_features, params):
    xyz, feat = pc, pc_features
    xyz, feat = sa_module(xyz, feat, 128, 0.025, 64, params['sa1'])
    xyz, feat = sa_module(xyz, feat, 32, 0.05, 128, params['sa2'])
    xyz, feat = sa_module(xyz, feat, None, None, None, params['sa3'])
    return fc_head(jnp.squeeze(feat, -1), params['fc'])


def setup_inputs(seed: int = 0):
    key = jax.random.key(seed)
    ks = jax.random.split(key, 16)
    B, N = 16, 4096
    pc = jax.random.uniform(ks[0], (B, N, 3), dtype=jnp.float32)
    pc_features = jax.random.normal(ks[1], (B, 4, N), dtype=jnp.float32)

    def W(k, o, i):
        return jax.random.normal(k, (o, i), dtype=jnp.float32) * (1.0 / np.sqrt(i))

    params = {
        'sa1': [W(ks[2], 64, 7), W(ks[3], 64, 64), W(ks[4], 128, 64)],
        'sa2': [W(ks[5], 128, 131), W(ks[6], 128, 128), W(ks[7], 256, 128)],
        'sa3': [W(ks[8], 256, 259), W(ks[9], 512, 256), W(ks[10], 1024, 512)],
        'fc': [W(ks[11], 1024, 1024), jnp.zeros((1024,), jnp.float32), W(ks[12], 1024, 1024), jnp.zeros((1024,), jnp.float32), W(ks[13], 1, 1024), jnp.zeros((1,), jnp.float32)],
    }
    return {'pc': pc, 'pc_features': pc_features, 'params': params}


def reference(pc, pc_features, params):
    return forward(pc, pc_features, params)

if __name__ == "__main__":
    import jax
    _d = setup_inputs()
    print(jax.jit(kernel)(*tuple(_d.values())))

</pallas_src>

<mosaic_0001>
#map = affine_map<(d0, d1) -> (0, 0)>
#map1 = affine_map<(d0, d1) -> (0, 0, 0)>
module attributes {stable_mosaic.version = 14 : i64} {
  func.func @k(%arg0: i32, %arg1: i32, %arg2: memref<65536x8xf32, #tpu.memory_space<hbm>>, %arg3: memref<1024x128xi32, #tpu.memory_space<hbm>>, %arg4: memref<1024x128x8xf32, #tpu.memory_space<hbm>>, %arg5: memref<32x128xi32, #tpu.memory_space<vmem>>, %arg6: memref<32x128x8xf32, #tpu.memory_space<vmem>>, %arg7: memref<!tpu.dma_semaphore, #tpu.memory_space<semaphore_mem>>) attributes {dimension_semantics = [#tpu.dimension_semantics<core_parallel>, #tpu.dimension_semantics<subcore_parallel>], iteration_bounds = array<i64: 2, 16>, scalar_prefetch = 0 : i64, scratch_operands = 3 : i64, tpu.core_type = #tpu.core_type<sc_vector_subcore>, window_params = [{transform_indices = #map}, {transform_indices = #map}, {transform_indices = #map1}]} {
    %mul3A = arith.constant 2 : i32
    %mul3A_0 = arith.muli %arg1, %mul3A : i32
    %add3A = arith.addi %mul3A_0, %arg0 : i32
    %mul3A_1 = arith.constant 32 : i32
    %mul3A_2 = arith.muli %add3A, %mul3A_1 : i32
    "tpu.region"() ({
      %run_scoped3A = tpu.sem_alloc : memref<!tpu.dma_semaphore, #tpu.memory_space<semaphore_mem>>
      %dma_start3A = arith.constant 0 : i32
      %dma_start3A_14 = tpu.memref_slice %arg3[%mul3A_2, %dma_start3A] : memref<1024x128xi32, #tpu.memory_space<hbm>> -> memref<32x128xi32, #tpu.memory_space<hbm>>
      %dma_start3A_15 = arith.constant 0 : i32
      %dma_start3A_16 = tpu.memref_slice %arg3[%mul3A_2, %dma_start3A_15] : memref<1024x128xi32, #tpu.memory_space<hbm>> -> memref<32x128xi32, #tpu.memory_space<hbm>>
      tpu.enqueue_dma source(%dma_start3A_16 : memref<32x128xi32, #tpu.memory_space<hbm>>) target(%arg5 : memref<32x128xi32, #tpu.memory_space<vmem>>) target_semaphore(%run_scoped3A : memref<!tpu.dma_semaphore, #tpu.memory_space<semaphore_mem>>)
      %dma_wait3A = arith.constant 0 : i32
      %dma_wait3A_17 = tpu.memref_slice %arg3[%mul3A_2, %dma_wait3A] : memref<1024x128xi32, #tpu.memory_space<hbm>> -> memref<32x128xi32, #tpu.memory_space<hbm>>
      %dma_wait3A_18 = arith.constant 0 : i32
      %dma_wait3A_19 = tpu.memref_slice %arg3[%mul3A_2, %dma_wait3A_18] : memref<1024x128xi32, #tpu.memory_space<hbm>> -> memref<32x128xi32, #tpu.memory_space<hbm>>
      tpu.wait_dma2 semaphore(%run_scoped3A : memref<!tpu.dma_semaphore, #tpu.memory_space<semaphore_mem>>) src(%dma_wait3A_19 : memref<32x128xi32, #tpu.memory_space<hbm>>) dst(%arg5 : memref<32x128xi32, #tpu.memory_space<vmem>>)
      tpu.yield
    }) : () -> ()
    %scan3A = arith.constant 0 : i32
    %scan3A_3 = arith.constant 0 : i32
    %scan3A_4 = arith.constant 32 : i32
    %scan3A_5 = arith.addi %scan3A_3, %scan3A_4 : i32
    %scan3A_6 = arith.constant 1 : i32
    scf.for %scan3A_14 = %scan3A_3 to %scan3A_5 step %scan3A_6  : i32 {
      %dma_start3A = arith.constant 0 : i32
      %dma_start3A_15 = arith.constant 0 : i32
      %dma_start3A_16 = tpu.memref_slice %arg6[%scan3A_14, %dma_start3A, %dma_start3A_15] : memref<32x128x8xf32, #tpu.memory_space<vmem>> -> memref<1x128x8xf32, #tpu.memory_space<vmem>>
      %dma_start3A_17 = tpu.memref_squeeze %dma_start3A_16 : memref<1x128x8xf32, #tpu.memory_space<vmem>> -> memref<128x8xf32, #tpu.memory_space<vmem>>
      %dma_start3A_18 = arith.constant 0 : i32
      %dma_start3A_19 = tpu.memref_slice %arg5[%scan3A_14, %dma_start3A_18] : memref<32x128xi32, #tpu.memory_space<vmem>> -> memref<1x128xi32, #tpu.memory_space<vmem>>
      %dma_start3A_20 = tpu.memref_squeeze %dma_start3A_19 : memref<1x128xi32, #tpu.memory_space<vmem>> -> memref<128xi32, #tpu.memory_space<vmem>>
      %dma_start3A_21 = arith.constant 0 : i32
      %dma_start3A_22 = arith.constant 0 : i32
      %dma_start3A_23 = tpu.memref_slice %arg2[%dma_start3A_21, %dma_start3A_22] : memref<65536x8xf32, #tpu.memory_space<hbm>> -> memref<65536x8xf32, #tpu.memory_space<hbm>>
      tpu.enqueue_indirect_dma source(%dma_start3A_23 : memref<65536x8xf32, #tpu.memory_space<hbm>>) target(%dma_start3A_17 : memref<128x8xf32, #tpu.memory_space<vmem>>) offsets(%dma_start3A_20 : memref<128xi32, #tpu.memory_space<vmem>>) semaphore(%arg7 : memref<!tpu.dma_semaphore, #tpu.memory_space<semaphore_mem>>)
    }
    %scan3A_7 = arith.constant 32 : i32
    %scan3A_8 = arith.constant 0 : i32
    %scan3A_9 = arith.constant 0 : i32
    %scan3A_10 = arith.constant 32 : i32
    %scan3A_11 = arith.addi %scan3A_9, %scan3A_10 : i32
    %scan3A_12 = arith.constant 1 : i32
    scf.for %scan3A_14 = %scan3A_9 to %scan3A_11 step %scan3A_12  : i32 {
      %dma_wait3A = arith.constant 0 : i32
      %dma_wait3A_15 = arith.constant 0 : i32
      %dma_wait3A_16 = tpu.memref_slice %arg6[%scan3A_14, %dma_wait3A, %dma_wait3A_15] : memref<32x128x8xf32, #tpu.memory_space<vmem>> -> memref<1x128x8xf32, #tpu.memory_space<vmem>>
      %dma_wait3A_17 = tpu.memref_squeeze %dma_wait3A_16 : memref<1x128x8xf32, #tpu.memory_space<vmem>> -> memref<128x8xf32, #tpu.memory_space<vmem>>
      %dma_wait3A_18 = arith.constant 0 : i32
      %dma_wait3A_19 = tpu.memref_slice %arg5[%scan3A_14, %dma_wait3A_18] : memref<32x128xi32, #tpu.memory_space<vmem>> -> memref<1x128xi32, #tpu.memory_space<vmem>>
      %dma_wait3A_20 = tpu.memref_squeeze %dma_wait3A_19 : memref<1x128xi32, #tpu.memory_space<vmem>> -> memref<128xi32, #tpu.memory_space<vmem>>
      %dma_wait3A_21 = arith.constant 0 : i32
      %dma_wait3A_22 = arith.constant 0 : i32
      %dma_wait3A_23 = tpu.memref_slice %arg2[%dma_wait3A_21, %dma_wait3A_22] : memref<65536x8xf32, #tpu.memory_space<hbm>> -> memref<65536x8xf32, #tpu.memory_space<hbm>>
      tpu.wait_indirect_dma semaphore(%arg7 : memref<!tpu.dma_semaphore, #tpu.memory_space<semaphore_mem>>) src(%dma_wait3A_23 : memref<65536x8xf32, #tpu.memory_space<hbm>>) dst(%dma_wait3A_17 : memref<128x8xf32, #tpu.memory_space<vmem>>)
    }
    %scan3A_13 = arith.constant 32 : i32
    "tpu.region"() ({
      %run_scoped3A = tpu.sem_alloc : memref<!tpu.dma_semaphore, #tpu.memory_space<semaphore_mem>>
      %dma_start3A = arith.constant 0 : i32
      %dma_start3A_14 = arith.constant 0 : i32
      %dma_start3A_15 = tpu.memref_slice %arg4[%mul3A_2, %dma_start3A, %dma_start3A_14] : memref<1024x128x8xf32, #tpu.memory_space<hbm>> -> memref<32x128x8xf32, #tpu.memory_space<hbm>>
      %dma_start3A_16 = arith.constant 0 : i32
      %dma_start3A_17 = arith.constant 0 : i32
      %dma_start3A_18 = tpu.memref_slice %arg4[%mul3A_2, %dma_start3A_16, %dma_start3A_17] : memref<1024x128x8xf32, #tpu.memory_space<hbm>> -> memref<32x128x8xf32, #tpu.memory_space<hbm>>
      tpu.enqueue_dma source(%arg6 : memref<32x128x8xf32, #tpu.memory_space<vmem>>) target(%dma_start3A_18 : memref<32x128x8xf32, #tpu.memory_space<hbm>>) target_semaphore(%run_scoped3A : memref<!tpu.dma_semaphore, #tpu.memory_space<semaphore_mem>>)
      %dma_wait3A = arith.constant 0 : i32
      %dma_wait3A_19 = arith.constant 0 : i32
      %dma_wait3A_20 = tpu.memref_slice %arg4[%mul3A_2, %dma_wait3A, %dma_wait3A_19] : memref<1024x128x8xf32, #tpu.memory_space<hbm>> -> memref<32x128x8xf32, #tpu.memory_space<hbm>>
      %dma_wait3A_21 = arith.constant 0 : i32
      %dma_wait3A_22 = arith.constant 0 : i32
      %dma_wait3A_23 = tpu.memref_slice %arg4[%mul3A_2, %dma_wait3A_21, %dma_wait3A_22] : memref<1024x128x8xf32, #tpu.memory_space<hbm>> -> memref<32x128x8xf32, #tpu.memory_space<hbm>>
      tpu.wait_dma2 semaphore(%run_scoped3A : memref<!tpu.dma_semaphore, #tpu.memory_space<semaphore_mem>>) src(%arg6 : memref<32x128x8xf32, #tpu.memory_space<vmem>>) dst(%dma_wait3A_23 : memref<32x128x8xf32, #tpu.memory_space<hbm>>)
      tpu.yield
    }) : () -> ()
    return
  }
}

module attributes {stable_mosaic.version = 14 : i64} {
  func.func @_fpsbq_body(%arg0: memref<16x4096xf32, #tpu.memory_space<vmem>>, %arg1: memref<16x4096xf32, #tpu.memory_space<vmem>>, %arg2: memref<16x4096xf32, #tpu.memory_space<vmem>>, %arg3: memref<16x128xi32, #tpu.memory_space<vmem>>, %arg4: memref<16x128xf32, #tpu.memory_space<vmem>>, %arg5: memref<16x128xf32, #tpu.memory_space<vmem>>, %arg6: memref<16x128xf32, #tpu.memory_space<vmem>>, %arg7: memref<128x16x64xi32, #tpu.memory_space<vmem>>) attributes {dimension_semantics = [], scalar_prefetch = 0 : i64, scratch_operands = 0 : i64, tpu.core_type = #tpu.core_type<tc>} {
    %get3A = arith.constant 0 : index
    %get3A_0 = arith.constant 0 : index
    %get3A_1 = vector.load %arg0[%get3A, %get3A_0] : memref<16x4096xf32, #tpu.memory_space<vmem>>, vector<16x4096xf32>
    %get3A_2 = arith.constant 0 : index
    %get3A_3 = arith.constant 0 : index
    %get3A_4 = vector.load %arg1[%get3A_2, %get3A_3] : memref<16x4096xf32, #tpu.memory_space<vmem>>, vector<16x4096xf32>
    %get3A_5 = arith.constant 0 : index
    %get3A_6 = arith.constant 0 : index
    %get3A_7 = vector.load %arg2[%get3A_5, %get3A_6] : memref<16x4096xf32, #tpu.memory_space<vmem>>, vector<16x4096xf32>
    %iota3A = tpu.iota {dimensions = array<i32: 1>} : vector<16x4096xi32>
    %convert_element_type3A = arith.sitofp %iota3A : vector<16x4096xi32> to vector<16x4096xf32>
    %iota3A_8 = tpu.iota {dimensions = array<i32: 1>} : vector<16x128xi32>
    %convert_element_type3A_9 = arith.sitofp %iota3A_8 : vector<16x128xi32> to vector<16x128xf32>
    %iota3A_10 = tpu.iota {dimensions = array<i32: 1>} : vector<16x64xi32>
    %convert_element_type3A_11 = arith.sitofp %iota3A_10 : vector<16x64xi32> to vector<16x64xf32>
    %iota3A_12 = tpu.iota {dimensions = array<i32: 0>} : vector<16x64xi32>
    %mul3A = arith.constant 4096 : i32
    %mul3A_13 = vector.broadcast %mul3A : i32 to vector<16x64xi32>
    %mul3A_14 = arith.muli %iota3A_12, %mul3A_13 : vector<16x64xi32>
    %slice3A = vector.extract_strided_slice %get3A_1 {offsets = [0, 0], sizes = [16, 128], strides = [1, 1]} : vector<16x4096xf32> to vector<16x128xf32>
    %mul3A_15 = arith.constant 0.000000e+00 : f32
    %mul3A_16 = vector.broadcast %mul3A_15 : f32 to vector<16x128xf32>
    %mul3A_17 = arith.mulf %slice3A, %mul3A_16 : vector<16x128xf32>
    %slice3A_18 = vector.extract_strided_slice %get3A_1 {offsets = [0, 0], sizes = [16, 1], strides = [1, 1]} : vector<16x4096xf32> to vector<16x1xf32>
    %mul3A_19 = arith.constant 0.000000e+00 : f32
    %mul3A_20 = vector.broadcast %mul3A_19 : f32 to vector<16x1xf32>
    %mul3A_21 = arith.mulf %slice3A_18, %mul3A_20 : vector<16x1xf32>
    %mul3A_22 = arith.constant 0.000000e+00 : f32
    %mul3A_23 = vector.broadcast %mul3A_22 : f32 to vector<16x4096xf32>
    %mul3A_24 = arith.mulf %get3A_1, %mul3A_23 : vector<16x4096xf32>
    %add3A = arith.constant 1.000000e+10 : f32
    %add3A_25 = vector.broadcast %add3A : f32 to vector<16x4096xf32>
    %add3A_26 = arith.addf %mul3A_24, %add3A_25 : vector<16x4096xf32>
    %scan3A = arith.constant 0 : i32
    %scan3A_27 = arith.constant 128 : i32
    %scan3A_28 = arith.addi %scan3A, %scan3A_27 : i32
    %scan3A_29 = arith.constant 1 : i32
    %scan3A_30:6 = scf.for %scan3A_44 = %scan3A to %scan3A_28 step %scan3A_29 iter_args(%scan3A_45 = %mul3A_21, %scan3A_46 = %add3A_26, %scan3A_47 = %mul3A_17, %scan3A_48 = %mul3A_17, %scan3A_49 = %mul3A_17, %scan3A_50 = %mul3A_17) -> (vector<16x1xf32>, vector<16x4096xf32>, vector<16x128xf32>, vector<16x128xf32>, vector<16x128xf32>, vector<16x128xf32>)  : i32 {
      %eq3A = vector.broadcast %scan3A_45 : vector<16x1xf32> to vector<16x4096xf32>
      %eq3A_51 = arith.cmpf oeq, %convert_element_type3A, %eq3A : vector<16x4096xf32>
      %jit3A = arith.constant 0.000000e+00 : f32
      %broadcast_in_dim3A = vector.broadcast %jit3A : f32 to vector<16x4096xf32>
      %select_n3A = arith.select %eq3A_51, %get3A_1, %broadcast_in_dim3A : vector<16x4096xi1>, vector<16x4096xf32>
      %reduce_sum3A = arith.constant dense<0.000000e+00> : vector<16xf32>
      %reduce_sum3A_52 = vector.multi_reduction <add>, %select_n3A, %reduce_sum3A [1] : vector<16x4096xf32> to vector<16xf32>
      %broadcast_in_dim3A_53 = vector.shape_cast %reduce_sum3A_52 : vector<16xf32> to vector<16x1xf32>
      %jit3A_54 = arith.constant 0.000000e+00 : f32
      %broadcast_in_dim3A_55 = vector.broadcast %jit3A_54 : f32 to vector<16x4096xf32>
      %select_n3A_56 = arith.select %eq3A_51, %get3A_4, %broadcast_in_dim3A_55 : vector<16x4096xi1>, vector<16x4096xf32>
      %reduce_sum3A_57 = arith.constant dense<0.000000e+00> : vector<16xf32>
      %reduce_sum3A_58 = vector.multi_reduction <add>, %select_n3A_56, %reduce_sum3A_57 [1] : vector<16x4096xf32> to vector<16xf32>
      %broadcast_in_dim3A_59 = vector.shape_cast %reduce_sum3A_58 : vector<16xf32> to vector<16x1xf32>
      %jit3A_60 = arith.constant 0.000000e+00 : f32
      %broadcast_in_dim3A_61 = vector.broadcast %jit3A_60 : f32 to vector<16x4096xf32>
      %select_n3A_62 = arith.select %eq3A_51, %get3A_7, %broadcast_in_dim3A_61 : vector<16x4096xi1>, vector<16x4096xf32>
      %reduce_sum3A_63 = arith.constant dense<0.000000e+00> : vector<16xf32>
      %reduce_sum3A_64 = vector.multi_reduction <add>, %select_n3A_62, %reduce_sum3A_63 [1] : vector<16x4096xf32> to vector<16xf32>
      %broadcast_in_dim3A_65 = vector.shape_cast %reduce_sum3A_64 : vector<16xf32> to vector<16x1xf32>
      %convert_element_type3A_66 = arith.sitofp %scan3A_44 : i32 to f32
      %eq3A_67 = vector.broadcast %convert_element_type3A_66 : f32 to vector<16x128xf32>
      %eq3A_68 = arith.cmpf oeq, %convert_element_type3A_9, %eq3A_67 : vector<16x128xf32>
      %broadcast_in_dim3A_69 = vector.shape_cast %scan3A_45 : vector<16x1xf32> to vector<16x1xf32>
      %broadcast_in_dim3A_70 = vector.broadcast %broadcast_in_dim3A_69 : vector<16x1xf32> to vector<16x128xf32>
      %select_n3A_71 = arith.select %eq3A_68, %broadcast_in_dim3A_70, %scan3A_47 : vector<16x128xi1>, vector<16x128xf32>
      %broadcast_in_dim3A_72 = vector.shape_cast %broadcast_in_dim3A_53 : vector<16x1xf32> to vector<16x1xf32>
      %broadcast_in_dim3A_73 = vector.broadcast %broadcast_in_dim3A_72 : vector<16x1xf32> to vector<16x128xf32>
      %select_n3A_74 = arith.select %eq3A_68, %broadcast_in_dim3A_73, %scan3A_48 : vector<16x128xi1>, vector<16x128xf32>
      %broadcast_in_dim3A_75 = vector.shape_cast %broadcast_in_dim3A_59 : vector<16x1xf32> to vector<16x1xf32>
      %broadcast_in_dim3A_76 = vector.broadcast %broadcast_in_dim3A_75 : vector<16x1xf32> to vector<16x128xf32>
      %select_n3A_77 = arith.select %eq3A_68, %broadcast_in_dim3A_76, %scan3A_49 : vector<16x128xi1>, vector<16x128xf32>
      %broadcast_in_dim3A_78 = vector.shape_cast %broadcast_in_dim3A_65 : vector<16x1xf32> to vector<16x1xf32>
      %broadcast_in_dim3A_79 = vector.broadcast %broadcast_in_dim3A_78 : vector<16x1xf32> to vector<16x128xf32>
      %select_n3A_80 = arith.select %eq3A_68, %broadcast_in_dim3A_79, %scan3A_50 : vector<16x128xi1>, vector<16x128xf32>
      %sub3A = vector.broadcast %broadcast_in_dim3A_53 : vector<16x1xf32> to vector<16x4096xf32>
      %sub3A_81 = arith.subf %get3A_1, %sub3A : vector<16x4096xf32>
      %integer_pow3A = arith.mulf %sub3A_81, %sub3A_81 : vector<16x4096xf32>
      %sub3A_82 = vector.broadcast %broadcast_in_dim3A_59 : vector<16x1xf32> to vector<16x4096xf32>
      %sub3A_83 = arith.subf %get3A_4, %sub3A_82 : vector<16x4096xf32>
      %integer_pow3A_84 = arith.mulf %sub3A_83, %sub3A_83 : vector<16x4096xf32>
      %add3A_85 = arith.addf %integer_pow3A, %integer_pow3A_84 : vector<16x4096xf32>
      %sub3A_86 = vector.broadcast %broadcast_in_dim3A_65 : vector<16x1xf32> to vector<16x4096xf32>
      %sub3A_87 = arith.subf %get3A_7, %sub3A_86 : vector<16x4096xf32>
      %integer_pow3A_88 = arith.mulf %sub3A_87, %sub3A_87 : vector<16x4096xf32>
      %add3A_89 = arith.addf %add3A_85, %integer_pow3A_88 : vector<16x4096xf32>
      %lt3A = arith.constant 6.250000e-04 : f32
      %lt3A_90 = vector.broadcast %lt3A : f32 to vector<16x4096xf32>
      %lt3A_91 = arith.cmpf olt, %add3A_89, %lt3A_90 : vector<16x4096xf32>
      %jit3A_92 = arith.constant 1.000000e+00 : f32
      %jit3A_93 = arith.constant 0.000000e+00 : f32
      %broadcast_in_dim3A_94 = vector.broadcast %jit3A_92 : f32 to vector<16x4096xf32>
      %broadcast_in_dim3A_95 = vector.broadcast %jit3A_93 : f32 to vector<16x4096xf32>
      %select_n3A_96 = arith.select %lt3A_91, %broadcast_in_dim3A_94, %broadcast_in_dim3A_95 : vector<16x4096xi1>, vector<16x4096xf32>
      %reduce_sum3A_97 = arith.constant dense<0.000000e+00> : vector<16xf32>
      %reduce_sum3A_98 = vector.multi_reduction <add>, %select_n3A_96, %reduce_sum3A_97 [1] : vector<16x4096xf32> to vector<16xf32>
      %broadcast_in_dim3A_99 = vector.shape_cast %reduce_sum3A_98 : vector<16xf32> to vector<16x1xf32>
      %reduce_max3A = vector.shape_cast %broadcast_in_dim3A_99 : vector<16x1xf32> to vector<1x16x1xf32>
      %reduce_max3A_100 = arith.constant dense<0xFF800000> : vector<1xf32>
      %reduce_max3A_101 = vector.multi_reduction <maximumf>, %reduce_max3A, %reduce_max3A_100 [1, 2] : vector<1x16x1xf32> to vector<1xf32>
      %reduce_max3A_102 = vector.shape_cast %reduce_max3A_101 : vector<1xf32> to vector<1x1x1xf32>
      %reduce_max3A_103 = vector.extract %reduce_max3A_102[0, 0, 0] : f32 from vector<1x1x1xf32>
      %min3A = arith.constant 6.400000e+01 : f32
      %min3A_104 = arith.minimumf %reduce_max3A_103, %min3A : f32
      %convert_element_type3A_105 = arith.fptosi %min3A_104 : f32 to i32
      %jit3A_106 = arith.constant 4.096000e+03 : f32
      %broadcast_in_dim3A_107 = vector.broadcast %jit3A_106 : f32 to vector<16x4096xf32>
      %select_n3A_108 = arith.select %lt3A_91, %convert_element_type3A, %broadcast_in_dim3A_107 : vector<16x4096xi1>, vector<16x4096xf32>
      %slice3A_109 = vector.extract_strided_slice %add3A_89 {offsets = [0, 0], sizes = [16, 64], strides = [1, 1]} : vector<16x4096xf32> to vector<16x64xf32>
      %mul3A_110 = arith.constant 0.000000e+00 : f32
      %mul3A_111 = vector.broadcast %mul3A_110 : f32 to vector<16x64xf32>
      %mul3A_112 = arith.mulf %slice3A_109, %mul3A_111 : vector<16x64xf32>
      %add3A_113 = arith.constant 4.096000e+03 : f32
      %add3A_114 = vector.broadcast %add3A_113 : f32 to vector<16x64xf32>
      %add3A_115 = arith.addf %mul3A_112, %add3A_114 : vector<16x64xf32>
      %while3A = arith.constant 0 : i32
      %while3A_116:3 = scf.while (%while3A_142 = %while3A, %while3A_143 = %select_n3A_108, %while3A_144 = %add3A_115) : (i32, vector<16x4096xf32>, vector<16x64xf32>) -> (i32, vector<16x4096xf32>, vector<16x64xf32>) {
        %lt3A_145 = arith.cmpi slt, %while3A_142, %convert_element_type3A_105 : i32
        scf.condition(%lt3A_145) %while3A_142, %while3A_143, %while3A_144 : i32, vector<16x4096xf32>, vector<16x64xf32>
      } do {
      ^bb0(%while3A_142: i32, %while3A_143: vector<16x4096xf32>, %while3A_144: vector<16x64xf32>):
        %reduce_min3A_145 = arith.constant dense<0x7F800000> : vector<16xf32>
        %reduce_min3A_146 = vector.multi_reduction <minimumf>, %while3A_143, %reduce_min3A_145 [1] : vector<16x4096xf32> to vector<16xf32>
        %broadcast_in_dim3A_147 = vector.shape_cast %reduce_min3A_146 : vector<16xf32> to vector<16x1xf32>
        %convert_element_type3A_148 = arith.sitofp %while3A_142 : i32 to f32
        %eq3A_149 = vector.broadcast %convert_element_type3A_148 : f32 to vector<16x64xf32>
        %eq3A_150 = arith.cmpf oeq, %convert_element_type3A_11, %eq3A_149 : vector<16x64xf32>
        %broadcast_in_dim3A_151 = vector.shape_cast %broadcast_in_dim3A_147 : vector<16x1xf32> to vector<16x1xf32>
        %broadcast_in_dim3A_152 = vector.broadcast %broadcast_in_dim3A_151 : vector<16x1xf32> to vector<16x64xf32>
        %select_n3A_153 = arith.select %eq3A_150, %broadcast_in_dim3A_152, %while3A_144 : vector<16x64xi1>, vector<16x64xf32>
        %eq3A_154 = vector.broadcast %broadcast_in_dim3A_147 : vector<16x1xf32> to vector<16x4096xf32>
        %eq3A_155 = arith.cmpf oeq, %while3A_143, %eq3A_154 : vector<16x4096xf32>
        %jit3A_156 = arith.constant 4.096000e+03 : f32
        %broadcast_in_dim3A_157 = vector.broadcast %jit3A_156 : f32 to vector<16x4096xf32>
        %select_n3A_158 = arith.select %eq3A_155, %broadcast_in_dim3A_157, %while3A_143 : vector<16x4096xi1>, vector<16x4096xf32>
        %add3A_159 = arith.constant 1 : i32
        %add3A_160 = arith.addi %while3A_142, %add3A_159 : i32
        scf.yield %add3A_160, %select_n3A_158, %select_n3A_153 : i32, vector<16x4096xf32>, vector<16x64xf32>
      }
      %eq3A_117 = arith.constant 4.096000e+03 : f32
      %eq3A_118 = vector.broadcast %eq3A_117 : f32 to vector<16x64xf32>
      %eq3A_119 = arith.cmpf oeq, %while3A_116#2, %eq3A_118 : vector<16x64xf32>
      %slice3A_120 = vector.extract_strided_slice %while3A_116#2 {offsets = [0, 0], sizes = [16, 1], strides = [1, 1]} : vector<16x64xf32> to vector<16x1xf32>
      %broadcast_in_dim3A_121 = vector.shape_cast %slice3A_120 : vector<16x1xf32> to vector<16x1xf32>
      %broadcast_in_dim3A_122 = vector.broadcast %broadcast_in_dim3A_121 : vector<16x1xf32> to vector<16x64xf32>
      %select_n3A_123 = arith.select %eq3A_119, %broadcast_in_dim3A_122, %while3A_116#2 : vector<16x64xi1>, vector<16x64xf32>
      %convert_element_type3A_124 = arith.fptosi %select_n3A_123 : vector<16x64xf32> to vector<16x64xi32>
      %add3A_125 = arith.addi %convert_element_type3A_124, %mul3A_14 : vector<16x64xi32>
      %broadcast_in_dim3A_126 = vector.shape_cast %add3A_125 : vector<16x64xi32> to vector<1x16x64xi32>
      %swap3A_127 = arith.index_cast %scan3A_44 : i32 to index
      %swap3A_128 = arith.constant 0 : index
      %swap3A_129 = arith.constant 0 : index
      %swap3A_130 = vector.load %arg7[%swap3A_127, %swap3A_128, %swap3A_129] : memref<128x16x64xi32, #tpu.memory_space<vmem>>, vector<1x16x64xi32>
      tpu.vector_store %arg7[%swap3A_127, %swap3A_128, %swap3A_129], %broadcast_in_dim3A_126 {strides = array<i32>} : memref<128x16x64xi32, #tpu.memory_space<vmem>>, vector<1x16x64xi32>,
      %min3A_131 = arith.minimumf %scan3A_46, %add3A_89 : vector<16x4096xf32>
      %reduce_max3A_132 = arith.constant dense<0xFF800000> : vector<16xf32>
      %reduce_max3A_133 = vector.multi_reduction <maximumf>, %min3A_131, %reduce_max3A_132 [1] : vector<16x4096xf32> to vector<16xf32>
      %broadcast_in_dim3A_134 = vector.shape_cast %reduce_max3A_133 : vector<16xf32> to vector<16x1xf32>
      %eq3A_135 = vector.broadcast %broadcast_in_dim3A_134 : vector<16x1xf32> to vector<16x4096xf32>
      %eq3A_136 = arith.cmpf oeq, %min3A_131, %eq3A_135 : vector<16x4096xf32>
      %jit3A_137 = arith.constant 4.096000e+03 : f32
      %broadcast_in_dim3A_138 = vector.broadcast %jit3A_137 : f32 to vector<16x4096xf32>
      %select_n3A_139 = arith.select %eq3A_136, %convert_element_type3A, %broadcast_in_dim3A_138 : vector<16x4096xi1>, vector<16x4096xf32>
      %reduce_min3A = arith.constant dense<0x7F800000> : vector<16xf32>
      %reduce_min3A_140 = vector.multi_reduction <minimumf>, %select_n3A_139, %reduce_min3A [1] : vector<16x4096xf32> to vector<16xf32>
      %broadcast_in_dim3A_141 = vector.shape_cast %reduce_min3A_140 : vector<16xf32> to vector<16x1xf32>
      scf.yield %broadcast_in_dim3A_141, %min3A_131, %select_n3A_71, %select_n3A_74, %select_n3A_77, %select_n3A_80 : vector<16x1xf32>, vector<16x4096xf32>, vector<16x128xf32>, vector<16x128xf32>, vector<16x128xf32>, vector<16x128xf32>
    }
    %scan3A_31 = arith.constant 128 : i32
    %convert_element_type3A_32 = arith.fptosi %scan3A_30#2 : vector<16x128xf32> to vector<16x128xi32>
    %swap3A = arith.constant 0 : index
    %swap3A_33 = arith.constant 0 : index
    %swap3A_34 = vector.load %arg3[%swap3A, %swap3A_33] : memref<16x128xi32, #tpu.memory_space<vmem>>, vector<16x128xi32>
    tpu.vector_store %arg3[%swap3A, %swap3A_33], %convert_element_type3A_32 {strides = array<i32>} : memref<16x128xi32, #tpu.memory_space<vmem>>, vector<16x128xi32>,
    %swap3A_35 = arith.constant 0 : index
    %swap3A_36 = arith.constant 0 : index
    %swap3A_37 = vector.load %arg4[%swap3A_35, %swap3A_36] : memref<16x128xf32, #tpu.memory_space<vmem>>, vector<16x128xf32>
    tpu.vector_store %arg4[%swap3A_35, %swap3A_36], %scan3A_30#3 {strides = array<i32>} : memref<16x128xf32, #tpu.memory_space<vmem>>, vector<16x128xf32>,
    %swap3A_38 = arith.constant 0 : index
    %swap3A_39 = arith.constant 0 : index
    %swap3A_40 = vector.load %arg5[%swap3A_38, %swap3A_39] : memref<16x128xf32, #tpu.memory_space<vmem>>, vector<16x128xf32>
    tpu.vector_store %arg5[%swap3A_38, %swap3A_39], %scan3A_30#4 {strides = array<i32>} : memref<16x128xf32, #tpu.memory_space<vmem>>, vector<16x128xf32>,
    %swap3A_41 = arith.constant 0 : index
    %swap3A_42 = arith.constant 0 : index
    %swap3A_43 = vector.load %arg6[%swap3A_41, %swap3A_42] : memref<16x128xf32, #tpu.memory_space<vmem>>, vector<16x128xf32>
    tpu.vector_store %arg6[%swap3A_41, %swap3A_42], %scan3A_30#5 {strides = array<i32>} : memref<16x128xf32, #tpu.memory_space<vmem>>, vector<16x128xf32>,
    return
  }
}

module attributes {stable_mosaic.version = 14 : i64} {
  func.func @_fps_body(%arg0: memref<16x128xf32, #tpu.memory_space<vmem>>, %arg1: memref<16x128xf32, #tpu.memory_space<vmem>>, %arg2: memref<16x128xf32, #tpu.memory_space<vmem>>, %arg3: memref<16x32xi32, #tpu.memory_space<vmem>>, %arg4: memref<16x32xf32, #tpu.memory_space<vmem>>, %arg5: memref<16x32xf32, #tpu.memory_space<vmem>>, %arg6: memref<16x32xf32, #tpu.memory_space<vmem>>) attributes {dimension_semantics = [], scalar_prefetch = 0 : i64, scratch_operands = 0 : i64, tpu.core_type = #tpu.core_type<tc>} {
    %get3A = arith.constant 0 : index
    %get3A_0 = arith.constant 0 : index
    %get3A_1 = vector.load %arg0[%get3A, %get3A_0] : memref<16x128xf32, #tpu.memory_space<vmem>>, vector<16x128xf32>
    %get3A_2 = arith.constant 0 : index
    %get3A_3 = arith.constant 0 : index
    %get3A_4 = vector.load %arg1[%get3A_2, %get3A_3] : memref<16x128xf32, #tpu.memory_space<vmem>>, vector<16x128xf32>
    %get3A_5 = arith.constant 0 : index
    %get3A_6 = arith.constant 0 : index
    %get3A_7 = vector.load %arg2[%get3A_5, %get3A_6] : memref<16x128xf32, #tpu.memory_space<vmem>>, vector<16x128xf32>
    %iota3A = tpu.iota {dimensions = array<i32: 1>} : vector<16x128xi32>
    %convert_element_type3A = arith.sitofp %iota3A : vector<16x128xi32> to vector<16x128xf32>
    %iota3A_8 = tpu.iota {dimensions = array<i32: 1>} : vector<16x32xi32>
    %convert_element_type3A_9 = arith.sitofp %iota3A_8 : vector<16x32xi32> to vector<16x32xf32>
    %slice3A = vector.extract_strided_slice %get3A_1 {offsets = [0, 0], sizes = [16, 32], strides = [1, 1]} : vector<16x128xf32> to vector<16x32xf32>
    %mul3A = arith.constant 0.000000e+00 : f32
    %mul3A_10 = vector.broadcast %mul3A : f32 to vector<16x32xf32>
    %mul3A_11 = arith.mulf %slice3A, %mul3A_10 : vector<16x32xf32>
    %slice3A_12 = vector.extract_strided_slice %get3A_1 {offsets = [0, 0], sizes = [16, 1], strides = [1, 1]} : vector<16x128xf32> to vector<16x1xf32>
    %mul3A_13 = arith.constant 0.000000e+00 : f32
    %mul3A_14 = vector.broadcast %mul3A_13 : f32 to vector<16x1xf32>
    %mul3A_15 = arith.mulf %slice3A_12, %mul3A_14 : vector<16x1xf32>
    %mul3A_16 = arith.constant 0.000000e+00 : f32
    %mul3A_17 = vector.broadcast %mul3A_16 : f32 to vector<16x128xf32>
    %mul3A_18 = arith.mulf %get3A_1, %mul3A_17 : vector<16x128xf32>
    %add3A = arith.constant 1.000000e+10 : f32
    %add3A_19 = vector.broadcast %add3A : f32 to vector<16x128xf32>
    %add3A_20 = arith.addf %mul3A_18, %add3A_19 : vector<16x128xf32>
    %scan3A = arith.constant 0 : i32
    %scan3A_21 = arith.constant 32 : i32
    %scan3A_22 = arith.addi %scan3A, %scan3A_21 : i32
    %scan3A_23 = arith.constant 1 : i32
    %scan3A_24:6 = scf.for %scan3A_38 = %scan3A to %scan3A_22 step %scan3A_23 iter_args(%scan3A_39 = %mul3A_15, %scan3A_40 = %add3A_20, %scan3A_41 = %mul3A_11, %scan3A_42 = %mul3A_11, %scan3A_43 = %mul3A_11, %scan3A_44 = %mul3A_11) -> (vector<16x1xf32>, vector<16x128xf32>, vector<16x32xf32>, vector<16x32xf32>, vector<16x32xf32>, vector<16x32xf32>)  : i32 {
      %eq3A = vector.broadcast %scan3A_39 : vector<16x1xf32> to vector<16x128xf32>
      %eq3A_45 = arith.cmpf oeq, %convert_element_type3A, %eq3A : vector<16x128xf32>
      %jit3A = arith.constant 0.000000e+00 : f32
      %broadcast_in_dim3A = vector.broadcast %jit3A : f32 to vector<16x128xf32>
      %select_n3A = arith.select %eq3A_45, %get3A_1, %broadcast_in_dim3A : vector<16x128xi1>, vector<16x128xf32>
      %reduce_sum3A = arith.constant dense<0.000000e+00> : vector<16xf32>
      %reduce_sum3A_46 = vector.multi_reduction <add>, %select_n3A, %reduce_sum3A [1] : vector<16x128xf32> to vector<16xf32>
      %broadcast_in_dim3A_47 = vector.shape_cast %reduce_sum3A_46 : vector<16xf32> to vector<16x1xf32>
      %jit3A_48 = arith.constant 0.000000e+00 : f32
      %broadcast_in_dim3A_49 = vector.broadcast %jit3A_48 : f32 to vector<16x128xf32>
      %select_n3A_50 = arith.select %eq3A_45, %get3A_4, %broadcast_in_dim3A_49 : vector<16x128xi1>, vector<16x128xf32>
      %reduce_sum3A_51 = arith.constant dense<0.000000e+00> : vector<16xf32>
      %reduce_sum3A_52 = vector.multi_reduction <add>, %select_n3A_50, %reduce_sum3A_51 [1] : vector<16x128xf32> to vector<16xf32>
      %broadcast_in_dim3A_53 = vector.shape_cast %reduce_sum3A_52 : vector<16xf32> to vector<16x1xf32>
      %jit3A_54 = arith.constant 0.000000e+00 : f32
      %broadcast_in_dim3A_55 = vector.broadcast %jit3A_54 : f32 to vector<16x128xf32>
      %select_n3A_56 = arith.select %eq3A_45, %get3A_7, %broadcast_in_dim3A_55 : vector<16x128xi1>, vector<16x128xf32>
      %reduce_sum3A_57 = arith.constant dense<0.000000e+00> : vector<16xf32>
      %reduce_sum3A_58 = vector.multi_reduction <add>, %select_n3A_56, %reduce_sum3A_57 [1] : vector<16x128xf32> to vector<16xf32>
      %broadcast_in_dim3A_59 = vector.shape_cast %reduce_sum3A_58 : vector<16xf32> to vector<16x1xf32>
      %convert_element_type3A_60 = arith.sitofp %scan3A_38 : i32 to f32
      %eq3A_61 = vector.broadcast %convert_element_type3A_60 : f32 to vector<16x32xf32>
      %eq3A_62 = arith.cmpf oeq, %convert_element_type3A_9, %eq3A_61 : vector<16x32xf32>
      %broadcast_in_dim3A_63 = vector.shape_cast %scan3A_39 : vector<16x1xf32> to vector<16x1xf32>
      %broadcast_in_dim3A_64 = vector.broadcast %broadcast_in_dim3A_63 : vector<16x1xf32> to vector<16x32xf32>
      %select_n3A_65 = arith.select %eq3A_62, %broadcast_in_dim3A_64, %scan3A_41 : vector<16x32xi1>, vector<16x32xf32>
      %broadcast_in_dim3A_66 = vector.shape_cast %broadcast_in_dim3A_47 : vector<16x1xf32> to vector<16x1xf32>
      %broadcast_in_dim3A_67 = vector.broadcast %broadcast_in_dim3A_66 : vector<16x1xf32> to vector<16x32xf32>
      %select_n3A_68 = arith.select %eq3A_62, %broadcast_in_dim3A_67, %scan3A_42 : vector<16x32xi1>, vector<16x32xf32>
      %broadcast_in_dim3A_69 = vector.shape_cast %broadcast_in_dim3A_53 : vector<16x1xf32> to vector<16x1xf32>
      %broadcast_in_dim3A_70 = vector.broadcast %broadcast_in_dim3A_69 : vector<16x1xf32> to vector<16x32xf32>
      %select_n3A_71 = arith.select %eq3A_62, %broadcast_in_dim3A_70, %scan3A_43 : vector<16x32xi1>, vector<16x32xf32>
      %broadcast_in_dim3A_72 = vector.shape_cast %broadcast_in_dim3A_59 : vector<16x1xf32> to vector<16x1xf32>
      %broadcast_in_dim3A_73 = vector.broadcast %broadcast_in_dim3A_72 : vector<16x1xf32> to vector<16x32xf32>
      %select_n3A_74 = arith.select %eq3A_62, %broadcast_in_dim3A_73, %scan3A_44 : vector<16x32xi1>, vector<16x32xf32>
      %sub3A = vector.broadcast %broadcast_in_dim3A_47 : vector<16x1xf32> to vector<16x128xf32>
      %sub3A_75 = arith.subf %get3A_1, %sub3A : vector<16x128xf32>
      %integer_pow3A = arith.mulf %sub3A_75, %sub3A_75 : vector<16x128xf32>
      %sub3A_76 = vector.broadcast %broadcast_in_dim3A_53 : vector<16x1xf32> to vector<16x128xf32>
      %sub3A_77 = arith.subf %get3A_4, %sub3A_76 : vector<16x128xf32>
      %integer_pow3A_78 = arith.mulf %sub3A_77, %sub3A_77 : vector<16x128xf32>
      %add3A_79 = arith.addf %integer_pow3A, %integer_pow3A_78 : vector<16x128xf32>
      %sub3A_80 = vector.broadcast %broadcast_in_dim3A_59 : vector<16x1xf32> to vector<16x128xf32>
      %sub3A_81 = arith.subf %get3A_7, %sub3A_80 : vector<16x128xf32>
      %integer_pow3A_82 = arith.mulf %sub3A_81, %sub3A_81 : vector<16x128xf32>
      %add3A_83 = arith.addf %add3A_79, %integer_pow3A_82 : vector<16x128xf32>
      %min3A = arith.minimumf %scan3A_40, %add3A_83 : vector<16x128xf32>
      %reduce_max3A = arith.constant dense<0xFF800000> : vector<16xf32>
      %reduce_max3A_84 = vector.multi_reduction <maximumf>, %min3A, %reduce_max3A [1] : vector<16x128xf32> to vector<16xf32>
      %broadcast_in_dim3A_85 = vector.shape_cast %reduce_max3A_84 : vector<16xf32> to vector<16x1xf32>
      %eq3A_86 = vector.broadcast %broadcast_in_dim3A_85 : vector<16x1xf32> to vector<16x128xf32>
      %eq3A_87 = arith.cmpf oeq, %min3A, %eq3A_86 : vector<16x128xf32>
      %jit3A_88 = arith.constant 1.280000e+02 : f32
      %broadcast_in_dim3A_89 = vector.broadcast %jit3A_88 : f32 to vector<16x128xf32>
      %select_n3A_90 = arith.select %eq3A_87, %convert_element_type3A, %broadcast_in_dim3A_89 : vector<16x128xi1>, vector<16x128xf32>
      %reduce_min3A = arith.constant dense<0x7F800000> : vector<16xf32>
      %reduce_min3A_91 = vector.multi_reduction <minimumf>, %select_n3A_90, %reduce_min3A [1] : vector<16x128xf32> to vector<16xf32>
      %broadcast_in_dim3A_92 = vector.shape_cast %reduce_min3A_91 : vector<16xf32> to vector<16x1xf32>
      scf.yield %broadcast_in_dim3A_92, %min3A, %select_n3A_65, %select_n3A_68, %select_n3A_71, %select_n3A_74 : vector<16x1xf32>, vector<16x128xf32>, vector<16x32xf32>, vector<16x32xf32>, vector<16x32xf32>, vector<16x32xf32>
    }
    %scan3A_25 = arith.constant 32 : i32
    %convert_element_type3A_26 = arith.fptosi %scan3A_24#2 : vector<16x32xf32> to vector<16x32xi32>
    %swap3A = arith.constant 0 : index
    %swap3A_27 = arith.constant 0 : index
    %swap3A_28 = vector.load %arg3[%swap3A, %swap3A_27] : memref<16x32xi32, #tpu.memory_space<vmem>>, vector<16x32xi32>
    tpu.vector_store %arg3[%swap3A, %swap3A_27], %convert_element_type3A_26 {strides = array<i32>} : memref<16x32xi32, #tpu.memory_space<vmem>>, vector<16x32xi32>,
    %swap3A_29 = arith.constant 0 : index
    %swap3A_30 = arith.constant 0 : index
    %swap3A_31 = vector.load %arg4[%swap3A_29, %swap3A_30] : memref<16x32xf32, #tpu.memory_space<vmem>>, vector<16x32xf32>
    tpu.vector_store %arg4[%swap3A_29, %swap3A_30], %scan3A_24#3 {strides = array<i32>} : memref<16x32xf32, #tpu.memory_space<vmem>>, vector<16x32xf32>,
    %swap3A_32 = arith.constant 0 : index
    %swap3A_33 = arith.constant 0 : index
    %swap3A_34 = vector.load %arg5[%swap3A_32, %swap3A_33] : memref<16x32xf32, #tpu.memory_space<vmem>>, vector<16x32xf32>
    tpu.vector_store %arg5[%swap3A_32, %swap3A_33], %scan3A_24#4 {strides = array<i32>} : memref<16x32xf32, #tpu.memory_space<vmem>>, vector<16x32xf32>,
    %swap3A_35 = arith.constant 0 : index
    %swap3A_36 = arith.constant 0 : index
    %swap3A_37 = vector.load %arg6[%swap3A_35, %swap3A_36] : memref<16x32xf32, #tpu.memory_space<vmem>>, vector<16x32xf32>
    tpu.vector_store %arg6[%swap3A_35, %swap3A_36], %scan3A_24#5 {strides = array<i32>} : memref<16x32xf32, #tpu.memory_space<vmem>>, vector<16x32xf32>,
    return
  }
}

module attributes {stable_mosaic.version = 14 : i64} {
  func.func @_mlp1_body(%arg0: i32, %arg1: memref<1x512x128xf32, #tpu.memory_space<vmem>>, %arg2: memref<1x128x8xf32, #tpu.memory_space<vmem>>, %arg3: memref<8x64xf32, #tpu.memory_space<vmem>>, %arg4: memref<128x1024xf32, #tpu.memory_space<vmem>>, %arg5: memref<128x128xf32, #tpu.memory_space<vmem>>, %arg6: memref<128x256xf32, #tpu.memory_space<vmem>>, %arg7: memref<1x128x128xf32, #tpu.memory_space<vmem>>) attributes {dimension_semantics = [#tpu.dimension_semantics<parallel>], iteration_bounds = array<i64: 16>, scalar_prefetch = 0 : i64, scratch_operands = 0 : i64, tpu.core_type = #tpu.core_type<tc>, window_params = [{transform_indices = @transform_0, window_bounds = array<i64: 1, 512, 128>}, {transform_indices = @transform_1, window_bounds = array<i64: 1, 128, 8>}, {pipeline_mode = #tpu.pipeline_mode<synchronous>, transform_indices = @transform_2, window_bounds = array<i64: 8, 64>}, {pipeline_mode = #tpu.pipeline_mode<synchronous>, transform_indices = @transform_3, window_bounds = array<i64: 128, 1024>}, {pipeline_mode = #tpu.pipeline_mode<synchronous>, transform_indices = @transform_4, window_bounds = array<i64: 128, 128>}, {pipeline_mode = #tpu.pipeline_mode<synchronous>, transform_indices = @transform_5, window_bounds = array<i64: 128, 256>}, {transform_indices = @transform_6, window_bounds = array<i64: 1, 128, 128>}]} {
    %get3A = arith.constant 0 : index
    %get3A_0 = arith.constant 0 : index
    %get3A_1 = arith.constant 0 : index
    %get3A_2 = vector.load %arg1[%get3A, %get3A_0, %get3A_1] : memref<1x512x128xf32, #tpu.memory_space<vmem>>, vector<1x512x128xf32>
    %get3A_3 = vector.shape_cast %get3A_2 : vector<1x512x128xf32> to vector<512x128xf32>
    %get3A_4 = arith.constant 0 : index
    %get3A_5 = arith.constant 0 : index
    %get3A_6 = arith.constant 0 : index
    %get3A_7 = vector.load %arg2[%get3A_4, %get3A_5, %get3A_6] : memref<1x128x8xf32, #tpu.memory_space<vmem>>, vector<1x128x8xf32>
    %get3A_8 = vector.shape_cast %get3A_7 : vector<1x128x8xf32> to vector<128x8xf32>
    %get3A_9 = arith.constant 0 : index
    %get3A_10 = arith.constant 0 : index
    %get3A_11 = vector.load %arg4[%get3A_9, %get3A_10] : memref<128x1024xf32, #tpu.memory_space<vmem>>, vector<128x1024xf32>
    %dot_general3A = arith.constant dense<0.000000e+00> : vector<512x1024xf32>
    %dot_general3A_12 = tpu.matmul %get3A_3, %get3A_11, %dot_general3A {dimension_numbers = #tpu.dot_dimension_numbers<[1], [0], [0], [1], [0, 0, 1, 1], [], []>, transpose_lhs_hint = false} : vector<512x128xf32>, vector<128x1024xf32>, vector<512x1024xf32> -> vector<512x1024xf32>
    %reshape3A = vector.shape_cast %dot_general3A_12 : vector<512x1024xf32> to vector<4096x128xf32>
    %get3A_13 = arith.constant 0 : index
    %get3A_14 = arith.constant 0 : index
    %get3A_15 = vector.load %arg3[%get3A_13, %get3A_14] : memref<8x64xf32, #tpu.memory_space<vmem>>, vector<8x64xf32>
    %dot_general3A_16 = arith.constant dense<0.000000e+00> : vector<128x64xf32>
    %dot_general3A_17 = tpu.matmul %get3A_8, %get3A_15, %dot_general3A_16 {dimension_numbers = #tpu.dot_dimension_numbers<[1], [0], [0], [1], [0, 0, 1, 1], [], []>, transpose_lhs_hint = false} : vector<128x8xf32>, vector<8x64xf32>, vector<128x64xf32> -> vector<128x64xf32>
    %broadcast_in_dim3A = vector.shape_cast %dot_general3A_17 : vector<128x64xf32> to vector<128x1x64xf32>
    %broadcast_in_dim3A_18 = vector.shape_cast %broadcast_in_dim3A : vector<128x1x64xf32> to vector<128x1x64xf32>
    %broadcast_in_dim3A_19 = vector.broadcast %broadcast_in_dim3A_18 : vector<128x1x64xf32> to vector<128x32x64xf32>
    %reshape3A_20 = vector.shape_cast %broadcast_in_dim3A_19 : vector<128x32x64xf32> to vector<4096x64xf32>
    %concatenate3A = tpu.concatenate %reshape3A_20, %reshape3A_20 in 1 : vector<4096x64xf32>, vector<4096x64xf32> -> vector<4096x128xf32>
    %sub3A = arith.subf %reshape3A, %concatenate3A : vector<4096x128xf32>
    %mul3A = arith.constant 0.999994993 : f32
    %mul3A_21 = vector.broadcast %mul3A : f32 to vector<4096x128xf32>
    %mul3A_22 = arith.mulf %sub3A, %mul3A_21 : vector<4096x128xf32>
    %max3A = arith.constant 0.000000e+00 : f32
    %max3A_23 = vector.broadcast %max3A : f32 to vector<4096x128xf32>
    %max3A_24 = arith.maximumf %mul3A_22, %max3A_23 : vector<4096x128xf32>
    %get3A_25 = arith.constant 0 : index
    %get3A_26 = arith.constant 0 : index
    %get3A_27 = vector.load %arg5[%get3A_25, %get3A_26] : memref<128x128xf32, #tpu.memory_space<vmem>>, vector<128x128xf32>
    %dot_general3A_28 = arith.constant dense<0.000000e+00> : vector<4096x128xf32>
    %dot_general3A_29 = tpu.matmul %max3A_24, %get3A_27, %dot_general3A_28 {dimension_numbers = #tpu.dot_dimension_numbers<[1], [0], [0], [1], [0, 0, 1, 1], [], []>, transpose_lhs_hint = false} : vector<4096x128xf32>, vector<128x128xf32>, vector<4096x128xf32> -> vector<4096x128xf32>
    %mul3A_30 = arith.constant 0.999994993 : f32
    %mul3A_31 = vector.broadcast %mul3A_30 : f32 to vector<4096x128xf32>
    %mul3A_32 = arith.mulf %dot_general3A_29, %mul3A_31 : vector<4096x128xf32>
    %max3A_33 = arith.constant 0.000000e+00 : f32
    %max3A_34 = vector.broadcast %max3A_33 : f32 to vector<4096x128xf32>
    %max3A_35 = arith.maximumf %mul3A_32, %max3A_34 : vector<4096x128xf32>
    %get3A_36 = arith.constant 0 : index
    %get3A_37 = arith.constant 0 : index
    %get3A_38 = vector.load %arg6[%get3A_36, %get3A_37] : memref<128x256xf32, #tpu.memory_space<vmem>>, vector<128x256xf32>
    %dot_general3A_39 = arith.constant dense<0.000000e+00> : vector<4096x256xf32>
    %dot_general3A_40 = tpu.matmul %max3A_35, %get3A_38, %dot_general3A_39 {dimension_numbers = #tpu.dot_dimension_numbers<[1], [0], [0], [1], [0, 0, 1, 1], [], []>, transpose_lhs_hint = false} : vector<4096x128xf32>, vector<128x256xf32>, vector<4096x256xf32> -> vector<4096x256xf32>
    %mul3A_41 = arith.constant 0.999994993 : f32
    %mul3A_42 = vector.broadcast %mul3A_41 : f32 to vector<4096x256xf32>
    %mul3A_43 = arith.mulf %dot_general3A_40, %mul3A_42 : vector<4096x256xf32>
    %max3A_44 = arith.constant 0.000000e+00 : f32
    %max3A_45 = vector.broadcast %max3A_44 : f32 to vector<4096x256xf32>
    %max3A_46 = arith.maximumf %mul3A_43, %max3A_45 : vector<4096x256xf32>
    %reshape3A_47 = vector.shape_cast %max3A_46 : vector<4096x256xf32> to vector<8192x128xf32>
    %reshape3A_48 = vector.shape_cast %reshape3A_47 : vector<8192x128xf32> to vector<128x64x128xf32>
    %reduce_max3A = arith.constant dense<0xFF800000> : vector<128x128xf32>
    %reduce_max3A_49 = vector.multi_reduction <maximumf>, %reshape3A_48, %reduce_max3A [1] : vector<128x64x128xf32> to vector<128x128xf32>
    %swap3A = arith.constant 0 : index
    %swap3A_50 = arith.constant 0 : index
    %swap3A_51 = arith.constant 0 : index
    %swap3A_52 = vector.load %arg7[%swap3A, %swap3A_50, %swap3A_51] : memref<1x128x128xf32, #tpu.memory_space<vmem>>, vector<1x128x128xf32>
    %swap3A_53 = vector.shape_cast %swap3A_52 : vector<1x128x128xf32> to vector<128x128xf32>
    %swap3A_54 = vector.shape_cast %reduce_max3A_49 : vector<128x128xf32> to vector<1x128x128xf32>
    tpu.vector_store %arg7[%swap3A, %swap3A_50, %swap3A_51], %swap3A_54 {strides = array<i32>} : memref<1x128x128xf32, #tpu.memory_space<vmem>>, vector<1x128x128xf32>,
    return
  }
  func.func @transform_0(%arg0: i32) -> (i32, i32, i32) {
    %c0_i32 = arith.constant 0 : i32
    %c0_i32_0 = arith.constant 0 : i32
    %c0_i32_1 = arith.constant 0 : i32
    return %arg0, %c0_i32, %c0_i32_0 : i32, i32, i32
  }
  func.func @transform_1(%arg0: i32) -> (i32, i32, i32) {
    %c0_i32 = arith.constant 0 : i32
    %c0_i32_0 = arith.constant 0 : i32
    %c0_i32_1 = arith.constant 0 : i32
    return %arg0, %c0_i32, %c0_i32_0 : i32, i32, i32
  }
  func.func @transform_2(%arg0: i32) -> (i32, i32) {
    %c0_i32 = arith.constant 0 : i32
    %c0_i32_0 = arith.constant 0 : i32
    %c0_i32_1 = arith.constant 0 : i32
    return %c0_i32, %c0_i32_0 : i32, i32
  }
  func.func @transform_3(%arg0: i32) -> (i32, i32) {
    %c0_i32 = arith.constant 0 : i32
    %c0_i32_0 = arith.constant 0 : i32
    %c0_i32_1 = arith.constant 0 : i32
    return %c0_i32, %c0_i32_0 : i32, i32
  }
  func.func @transform_4(%arg0: i32) -> (i32, i32) {
    %c0_i32 = arith.constant 0 : i32
    %c0_i32_0 = arith.constant 0 : i32
    %c0_i32_1 = arith.constant 0 : i32
    return %c0_i32, %c0_i32_0 : i32, i32
  }
  func.func @transform_5(%arg0: i32) -> (i32, i32) {
    %c0_i32 = arith.constant 0 : i32
    %c0_i32_0 = arith.constant 0 : i32
    %c0_i32_1 = arith.constant 0 : i32
    return %c0_i32, %c0_i32_0 : i32, i32
  }
  func.func @transform_6(%arg0: i32) -> (i32, i32, i32) {
    %c0_i32 = arith.constant 0 : i32
    %c0_i32_0 = arith.constant 0 : i32
    %c0_i32_1 = arith.constant 0 : i32
    return %arg0, %c0_i32, %c0_i32_0 : i32, i32, i32
  }
}

module attributes {stable_mosaic.version = 14 : i64} {
  func.func @_sa2_body(%arg0: i32, %arg1: memref<1x128x128xf32, #tpu.memory_space<vmem>>, %arg2: memref<1x128x1xf32, #tpu.memory_space<vmem>>, %arg3: memref<1x128x1xf32, #tpu.memory_space<vmem>>, %arg4: memref<1x128x1xf32, #tpu.memory_space<vmem>>, %arg5: memref<1x1x128xf32, #tpu.memory_space<vmem>>, %arg6: memref<1x1x128xf32, #tpu.memory_space<vmem>>, %arg7: memref<1x1x128xf32, #tpu.memory_space<vmem>>, %arg8: memref<1x32x1xf32, #tpu.memory_space<vmem>>, %arg9: memref<1x32x1xf32, #tpu.memory_space<vmem>>, %arg10: memref<1x32x1xf32, #tpu.memory_space<vmem>>, %arg11: memref<128x128xf32, #tpu.memory_space<vmem>>, %arg12: memref<8x128xf32, #tpu.memory_space<vmem>>, %arg13: memref<128x128xf32, #tpu.memory_space<vmem>>, %arg14: memref<128x256xf32, #tpu.memory_space<vmem>>, %arg15: memref<1x32x256xf32, #tpu.memory_space<vmem>>) attributes {dimension_semantics = [#tpu.dimension_semantics<parallel>], iteration_bounds = array<i64: 16>, scalar_prefetch = 0 : i64, scratch_operands = 0 : i64, tpu.core_type = #tpu.core_type<tc>, window_params = [{transform_indices = @transform_0, window_bounds = array<i64: 1, 128, 128>}, {transform_indices = @transform_1, window_bounds = array<i64: 1, 128, 1>}, {transform_indices = @transform_2, window_bounds = array<i64: 1, 128, 1>}, {transform_indices = @transform_3, window_bounds = array<i64: 1, 128, 1>}, {transform_indices = @transform_4, window_bounds = array<i64: 1, 1, 128>}, {transform_indices = @transform_5, window_bounds = array<i64: 1, 1, 128>}, {transform_indices = @transform_6, window_bounds = array<i64: 1, 1, 128>}, {transform_indices = @transform_7, window_bounds = array<i64: 1, 32, 1>}, {transform_indices = @transform_8, window_bounds = array<i64: 1, 32, 1>}, {transform_indices = @transform_9, window_bounds = array<i64: 1, 32, 1>}, {pipeline_mode = #tpu.pipeline_mode<synchronous>, transform_indices = @transform_10, window_bounds = array<i64: 128, 128>}, {pipeline_mode = #tpu.pipeline_mode<synchronous>, transform_indices = @transform_11, window_bounds = array<i64: 8, 128>}, {pipeline_mode = #tpu.pipeline_mode<synchronous>, transform_indices = @transform_12, window_bounds = array<i64: 128, 128>}, {pipeline_mode = #tpu.pipeline_mode<synchronous>, transform_indices = @transform_13, window_bounds = array<i64: 128, 256>}, {transform_indices = @transform_14, window_bounds = array<i64: 1, 32, 256>}]} {
    %get3A = arith.constant 0 : index
    %get3A_0 = arith.constant 0 : index
    %get3A_1 = arith.constant 0 : index
    %get3A_2 = vector.load %arg1[%get3A, %get3A_0, %get3A_1] : memref<1x128x128xf32, #tpu.memory_space<vmem>>, vector<1x128x128xf32>
    %get3A_3 = vector.shape_cast %get3A_2 : vector<1x128x128xf32> to vector<128x128xf32>
    %get3A_4 = arith.constant 0 : index
    %get3A_5 = arith.constant 0 : index
    %get3A_6 = arith.constant 0 : index
    %get3A_7 = vector.load %arg2[%get3A_4, %get3A_5, %get3A_6] : memref<1x128x1xf32, #tpu.memory_space<vmem>>, vector<1x128x1xf32>
    %get3A_8 = vector.shape_cast %get3A_7 : vector<1x128x1xf32> to vector<128x1xf32>
    %get3A_9 = arith.constant 0 : index
    %get3A_10 = arith.constant 0 : index
    %get3A_11 = arith.constant 0 : index
    %get3A_12 = vector.load %arg3[%get3A_9, %get3A_10, %get3A_11] : memref<1x128x1xf32, #tpu.memory_space<vmem>>, vector<1x128x1xf32>
    %get3A_13 = vector.shape_cast %get3A_12 : vector<1x128x1xf32> to vector<128x1xf32>
    %get3A_14 = arith.constant 0 : index
    %get3A_15 = arith.constant 0 : index
    %get3A_16 = arith.constant 0 : index
    %get3A_17 = vector.load %arg4[%get3A_14, %get3A_15, %get3A_16] : memref<1x128x1xf32, #tpu.memory_space<vmem>>, vector<1x128x1xf32>
    %get3A_18 = vector.shape_cast %get3A_17 : vector<1x128x1xf32> to vector<128x1xf32>
    %get3A_19 = arith.constant 0 : index
    %get3A_20 = arith.constant 0 : index
    %get3A_21 = arith.constant 0 : index
    %get3A_22 = vector.load %arg5[%get3A_19, %get3A_20, %get3A_21] : memref<1x1x128xf32, #tpu.memory_space<vmem>>, vector<1x1x128xf32>
    %get3A_23 = vector.shape_cast %get3A_22 : vector<1x1x128xf32> to vector<1x128xf32>
    %get3A_24 = arith.constant 0 : index
    %get3A_25 = arith.constant 0 : index
    %get3A_26 = arith.constant 0 : index
    %get3A_27 = vector.load %arg6[%get3A_24, %get3A_25, %get3A_26] : memref<1x1x128xf32, #tpu.memory_space<vmem>>, vector<1x1x128xf32>
    %get3A_28 = vector.shape_cast %get3A_27 : vector<1x1x128xf32> to vector<1x128xf32>
    %get3A_29 = arith.constant 0 : index
    %get3A_30 = arith.constant 0 : index
    %get3A_31 = arith.constant 0 : index
    %get3A_32 = vector.load %arg7[%get3A_29, %get3A_30, %get3A_31] : memref<1x1x128xf32, #tpu.memory_space<vmem>>, vector<1x1x128xf32>
    %get3A_33 = vector.shape_cast %get3A_32 : vector<1x1x128xf32> to vector<1x128xf32>
    %get3A_34 = arith.constant 0 : index
    %get3A_35 = arith.constant 0 : index
    %get3A_36 = arith.constant 0 : index
    %get3A_37 = vector.load %arg8[%get3A_34, %get3A_35, %get3A_36] : memref<1x32x1xf32, #tpu.memory_space<vmem>>, vector<1x32x1xf32>
    %get3A_38 = vector.shape_cast %get3A_37 : vector<1x32x1xf32> to vector<32x1xf32>
    %get3A_39 = arith.constant 0 : index
    %get3A_40 = arith.constant 0 : index
    %get3A_41 = arith.constant 0 : index
    %get3A_42 = vector.load %arg9[%get3A_39, %get3A_40, %get3A_41] : memref<1x32x1xf32, #tpu.memory_space<vmem>>, vector<1x32x1xf32>
    %get3A_43 = vector.shape_cast %get3A_42 : vector<1x32x1xf32> to vector<32x1xf32>
    %get3A_44 = arith.constant 0 : index
    %get3A_45 = arith.constant 0 : index
    %get3A_46 = arith.constant 0 : index
    %get3A_47 = vector.load %arg10[%get3A_44, %get3A_45, %get3A_46] : memref<1x32x1xf32, #tpu.memory_space<vmem>>, vector<1x32x1xf32>
    %get3A_48 = vector.shape_cast %get3A_47 : vector<1x32x1xf32> to vector<32x1xf32>
    %get3A_49 = arith.constant 0 : index
    %get3A_50 = arith.constant 0 : index
    %get3A_51 = vector.load %arg12[%get3A_49, %get3A_50] : memref<8x128xf32, #tpu.memory_space<vmem>>, vector<1x128xf32>
    %get3A_52 = arith.constant 1 : index
    %get3A_53 = arith.constant 0 : index
    %get3A_54 = vector.load %arg12[%get3A_52, %get3A_53] : memref<8x128xf32, #tpu.memory_space<vmem>>, vector<1x128xf32>
    %get3A_55 = arith.constant 2 : index
    %get3A_56 = arith.constant 0 : index
    %get3A_57 = vector.load %arg12[%get3A_55, %get3A_56] : memref<8x128xf32, #tpu.memory_space<vmem>>, vector<1x128xf32>
    %get3A_58 = arith.constant 0 : index
    %get3A_59 = arith.constant 0 : index
    %get3A_60 = vector.load %arg11[%get3A_58, %get3A_59] : memref<128x128xf32, #tpu.memory_space<vmem>>, vector<128x128xf32>
    %dot_general3A = arith.constant dense<0.000000e+00> : vector<128x128xf32>
    %dot_general3A_61 = tpu.matmul %get3A_3, %get3A_60, %dot_general3A {dimension_numbers = #tpu.dot_dimension_numbers<[1], [0], [0], [1], [0, 0, 1, 1], [], []>, transpose_lhs_hint = false} : vector<128x128xf32>, vector<128x128xf32>, vector<128x128xf32> -> vector<128x128xf32>
    %mul3A = vector.broadcast %get3A_8 : vector<128x1xf32> to vector<128x128xf32>
    %mul3A_62 = vector.broadcast %get3A_51 : vector<1x128xf32> to vector<128x128xf32>
    %mul3A_63 = arith.mulf %mul3A, %mul3A_62 : vector<128x128xf32>
    %add3A = arith.addf %dot_general3A_61, %mul3A_63 : vector<128x128xf32>
    %mul3A_64 = vector.broadcast %get3A_13 : vector<128x1xf32> to vector<128x128xf32>
    %mul3A_65 = vector.broadcast %get3A_54 : vector<1x128xf32> to vector<128x128xf32>
    %mul3A_66 = arith.mulf %mul3A_64, %mul3A_65 : vector<128x128xf32>
    %add3A_67 = arith.addf %add3A, %mul3A_66 : vector<128x128xf32>
    %mul3A_68 = vector.broadcast %get3A_18 : vector<128x1xf32> to vector<128x128xf32>
    %mul3A_69 = vector.broadcast %get3A_57 : vector<1x128xf32> to vector<128x128xf32>
    %mul3A_70 = arith.mulf %mul3A_68, %mul3A_69 : vector<128x128xf32>
    %add3A_71 = arith.addf %add3A_67, %mul3A_70 : vector<128x128xf32>
    %mul3A_72 = vector.broadcast %get3A_38 : vector<32x1xf32> to vector<32x128xf32>
    %mul3A_73 = vector.broadcast %get3A_51 : vector<1x128xf32> to vector<32x128xf32>
    %mul3A_74 = arith.mulf %mul3A_72, %mul3A_73 : vector<32x128xf32>
    %mul3A_75 = vector.broadcast %get3A_43 : vector<32x1xf32> to vector<32x128xf32>
    %mul3A_76 = vector.broadcast %get3A_54 : vector<1x128xf32> to vector<32x128xf32>
    %mul3A_77 = arith.mulf %mul3A_75, %mul3A_76 : vector<32x128xf32>
    %add3A_78 = arith.addf %mul3A_74, %mul3A_77 : vector<32x128xf32>
    %mul3A_79 = vector.broadcast %get3A_48 : vector<32x1xf32> to vector<32x128xf32>
    %mul3A_80 = vector.broadcast %get3A_57 : vector<1x128xf32> to vector<32x128xf32>
    %mul3A_81 = arith.mulf %mul3A_79, %mul3A_80 : vector<32x128xf32>
    %add3A_82 = arith.addf %add3A_78, %mul3A_81 : vector<32x128xf32>
    %neg3A = arith.constant 0.000000e+00 : f32
    %neg3A_83 = vector.broadcast %neg3A : f32 to vector<32x128xf32>
    %neg3A_84 = arith.subf %neg3A_83, %add3A_82 : vector<32x128xf32>
    %broadcast_in_dim3A = vector.shape_cast %add3A_71 : vector<128x128xf32> to vector<1x128x128xf32>
    %broadcast_in_dim3A_85 = vector.shape_cast %neg3A_84 : vector<32x128xf32> to vector<32x1x128xf32>
    %add3A_86 = vector.broadcast %broadcast_in_dim3A : vector<1x128x128xf32> to vector<32x128x128xf32>
    %add3A_87 = vector.broadcast %broadcast_in_dim3A_85 : vector<32x1x128xf32> to vector<32x128x128xf32>
    %add3A_88 = arith.addf %add3A_86, %add3A_87 : vector<32x128x128xf32>
    %mul3A_89 = arith.constant 0.999994993 : f32
    %mul3A_90 = vector.broadcast %mul3A_89 : f32 to vector<32x128x128xf32>
    %mul3A_91 = arith.mulf %add3A_88, %mul3A_90 : vector<32x128x128xf32>
    %max3A = arith.constant 0.000000e+00 : f32
    %max3A_92 = vector.broadcast %max3A : f32 to vector<32x128x128xf32>
    %max3A_93 = arith.maximumf %mul3A_91, %max3A_92 : vector<32x128x128xf32>
    %reshape3A = vector.shape_cast %max3A_93 : vector<32x128x128xf32> to vector<4096x128xf32>
    %get3A_94 = arith.constant 0 : index
    %get3A_95 = arith.constant 0 : index
    %get3A_96 = vector.load %arg13[%get3A_94, %get3A_95] : memref<128x128xf32, #tpu.memory_space<vmem>>, vector<128x128xf32>
    %dot_general3A_97 = arith.constant dense<0.000000e+00> : vector<4096x128xf32>
    %dot_general3A_98 = tpu.matmul %reshape3A, %get3A_96, %dot_general3A_97 {dimension_numbers = #tpu.dot_dimension_numbers<[1], [0], [0], [1], [0, 0, 1, 1], [], []>, transpose_lhs_hint = false} : vector<4096x128xf32>, vector<128x128xf32>, vector<4096x128xf32> -> vector<4096x128xf32>
    %mul3A_99 = arith.constant 0.999994993 : f32
    %mul3A_100 = vector.broadcast %mul3A_99 : f32 to vector<4096x128xf32>
    %mul3A_101 = arith.mulf %dot_general3A_98, %mul3A_100 : vector<4096x128xf32>
    %max3A_102 = arith.constant 0.000000e+00 : f32
    %max3A_103 = vector.broadcast %max3A_102 : f32 to vector<4096x128xf32>
    %max3A_104 = arith.maximumf %mul3A_101, %max3A_103 : vector<4096x128xf32>
    %get3A_105 = arith.constant 0 : index
    %get3A_106 = arith.constant 0 : index
    %get3A_107 = vector.load %arg14[%get3A_105, %get3A_106] : memref<128x256xf32, #tpu.memory_space<vmem>>, vector<128x256xf32>
    %dot_general3A_108 = arith.constant dense<0.000000e+00> : vector<4096x256xf32>
    %dot_general3A_109 = tpu.matmul %max3A_104, %get3A_107, %dot_general3A_108 {dimension_numbers = #tpu.dot_dimension_numbers<[1], [0], [0], [1], [0, 0, 1, 1], [], []>, transpose_lhs_hint = false} : vector<4096x128xf32>, vector<128x256xf32>, vector<4096x256xf32> -> vector<4096x256xf32>
    %mul3A_110 = arith.constant 0.999994993 : f32
    %mul3A_111 = vector.broadcast %mul3A_110 : f32 to vector<4096x256xf32>
    %mul3A_112 = arith.mulf %dot_general3A_109, %mul3A_111 : vector<4096x256xf32>
    %max3A_113 = arith.constant 0.000000e+00 : f32
    %max3A_114 = vector.broadcast %max3A_113 : f32 to vector<4096x256xf32>
    %max3A_115 = arith.maximumf %mul3A_112, %max3A_114 : vector<4096x256xf32>
    %sub3A = vector.broadcast %get3A_38 : vector<32x1xf32> to vector<32x128xf32>
    %sub3A_116 = vector.broadcast %get3A_23 : vector<1x128xf32> to vector<32x128xf32>
    %sub3A_117 = arith.subf %sub3A, %sub3A_116 : vector<32x128xf32>
    %integer_pow3A = arith.mulf %sub3A_117, %sub3A_117 : vector<32x128xf32>
    %sub3A_118 = vector.broadcast %get3A_43 : vector<32x1xf32> to vector<32x128xf32>
    %sub3A_119 = vector.broadcast %get3A_28 : vector<1x128xf32> to vector<32x128xf32>
    %sub3A_120 = arith.subf %sub3A_118, %sub3A_119 : vector<32x128xf32>
    %integer_pow3A_121 = arith.mulf %sub3A_120, %sub3A_120 : vector<32x128xf32>
    %add3A_122 = arith.addf %integer_pow3A, %integer_pow3A_121 : vector<32x128xf32>
    %sub3A_123 = vector.broadcast %get3A_48 : vector<32x1xf32> to vector<32x128xf32>
    %sub3A_124 = vector.broadcast %get3A_33 : vector<1x128xf32> to vector<32x128xf32>
    %sub3A_125 = arith.subf %sub3A_123, %sub3A_124 : vector<32x128xf32>
    %integer_pow3A_126 = arith.mulf %sub3A_125, %sub3A_125 : vector<32x128xf32>
    %add3A_127 = arith.addf %add3A_122, %integer_pow3A_126 : vector<32x128xf32>
    %lt3A = arith.constant 2.500000e-03 : f32
    %lt3A_128 = vector.broadcast %lt3A : f32 to vector<32x128xf32>
    %lt3A_129 = arith.cmpf olt, %add3A_127, %lt3A_128 : vector<32x128xf32>
    %jit3A = arith.constant 0.000000e+00 : f32
    %jit3A_130 = arith.constant -1.000000e+30 : f32
    %broadcast_in_dim3A_131 = vector.broadcast %jit3A : f32 to vector<32x128xf32>
    %broadcast_in_dim3A_132 = vector.broadcast %jit3A_130 : f32 to vector<32x128xf32>
    %select_n3A = arith.select %lt3A_129, %broadcast_in_dim3A_131, %broadcast_in_dim3A_132 : vector<32x128xi1>, vector<32x128xf32>
    %reshape3A_133 = vector.shape_cast %max3A_115 : vector<4096x256xf32> to vector<32x128x256xf32>
    %broadcast_in_dim3A_134 = vector.shape_cast %select_n3A : vector<32x128xf32> to vector<32x128x1xf32>
    %add3A_135 = vector.broadcast %broadcast_in_dim3A_134 : vector<32x128x1xf32> to vector<32x128x256xf32>
    %add3A_136 = arith.addf %reshape3A_133, %add3A_135 : vector<32x128x256xf32>
    %reduce_max3A = arith.constant dense<0xFF800000> : vector<32x256xf32>
    %reduce_max3A_137 = vector.multi_reduction <maximumf>, %add3A_136, %reduce_max3A [1] : vector<32x128x256xf32> to vector<32x256xf32>
    %swap3A = arith.constant 0 : index
    %swap3A_138 = arith.constant 0 : index
    %swap3A_139 = arith.constant 0 : index
    %swap3A_140 = vector.load %arg15[%swap3A, %swap3A_138, %swap3A_139] : memref<1x32x256xf32, #tpu.memory_space<vmem>>, vector<1x32x256xf32>
    %swap3A_141 = vector.shape_cast %swap3A_140 : vector<1x32x256xf32> to vector<32x256xf32>
    %swap3A_142 = vector.shape_cast %reduce_max3A_137 : vector<32x256xf32> to vector<1x32x256xf32>
    tpu.vector_store %arg15[%swap3A, %swap3A_138, %swap3A_139], %swap3A_142 {strides = array<i32>} : memref<1x32x256xf32, #tpu.memory_space<vmem>>, vector<1x32x256xf32>,
    return
  }
  func.func @transform_0(%arg0: i32) -> (i32, i32, i32) {
    %c0_i32 = arith.constant 0 : i32
    %c0_i32_0 = arith.constant 0 : i32
    %c0_i32_1 = arith.constant 0 : i32
    return %arg0, %c0_i32, %c0_i32_0 : i32, i32, i32
  }
  func.func @transform_1(%arg0: i32) -> (i32, i32, i32) {
    %c0_i32 = arith.constant 0 : i32
    %c0_i32_0 = arith.constant 0 : i32
    %c0_i32_1 = arith.constant 0 : i32
    return %arg0, %c0_i32, %c0_i32_0 : i32, i32, i32
  }
  func.func @transform_2(%arg0: i32) -> (i32, i32, i32) {
    %c0_i32 = arith.constant 0 : i32
    %c0_i32_0 = arith.constant 0 : i32
    %c0_i32_1 = arith.constant 0 : i32
    return %arg0, %c0_i32, %c0_i32_0 : i32, i32, i32
  }
  func.func @transform_3(%arg0: i32) -> (i32, i32, i32) {
    %c0_i32 = arith.constant 0 : i32
    %c0_i32_0 = arith.constant 0 : i32
    %c0_i32_1 = arith.constant 0 : i32
    return %arg0, %c0_i32, %c0_i32_0 : i32, i32, i32
  }
  func.func @transform_4(%arg0: i32) -> (i32, i32, i32) {
    %c0_i32 = arith.constant 0 : i32
    %c0_i32_0 = arith.constant 0 : i32
    %c0_i32_1 = arith.constant 0 : i32
    return %arg0, %c0_i32, %c0_i32_0 : i32, i32, i32
  }
  func.func @transform_5(%arg0: i32) -> (i32, i32, i32) {
    %c0_i32 = arith.constant 0 : i32
    %c0_i32_0 = arith.constant 0 : i32
    %c0_i32_1 = arith.constant 0 : i32
    return %arg0, %c0_i32, %c0_i32_0 : i32, i32, i32
  }
  func.func @transform_6(%arg0: i32) -> (i32, i32, i32) {
    %c0_i32 = arith.constant 0 : i32
    %c0_i32_0 = arith.constant 0 : i32
    %c0_i32_1 = arith.constant 0 : i32
    return %arg0, %c0_i32, %c0_i32_0 : i32, i32, i32
  }
  func.func @transform_7(%arg0: i32) -> (i32, i32, i32) {
    %c0_i32 = arith.constant 0 : i32
    %c0_i32_0 = arith.constant 0 : i32
    %c0_i32_1 = arith.constant 0 : i32
    return %arg0, %c0_i32, %c0_i32_0 : i32, i32, i32
  }
  func.func @transform_8(%arg0: i32) -> (i32, i32, i32) {
    %c0_i32 = arith.constant 0 : i32
    %c0_i32_0 = arith.constant 0 : i32
    %c0_i32_1 = arith.constant 0 : i32
    return %arg0, %c0_i32, %c0_i32_0 : i32, i32, i32
  }
  func.func @transform_9(%arg0: i32) -> (i32, i32, i32) {
    %c0_i32 = arith.constant 0 : i32
    %c0_i32_0 = arith.constant 0 : i32
    %c0_i32_1 = arith.constant 0 : i32
    return %arg0, %c0_i32, %c0_i32_0 : i32, i32, i32
  }
  func.func @transform_10(%arg0: i32) -> (i32, i32) {
    %c0_i32 = arith.constant 0 : i32
    %c0_i32_0 = arith.constant 0 : i32
    %c0_i32_1 = arith.constant 0 : i32
    return %c0_i32, %c0_i32_0 : i32, i32
  }
  func.func @transform_11(%arg0: i32) -> (i32, i32) {
    %c0_i32 = arith.constant 0 : i32
    %c0_i32_0 = arith.constant 0 : i32
    %c0_i32_1 = arith.constant 0 : i32
    return %c0_i32, %c0_i32_0 : i32, i32
  }
  func.func @transform_12(%arg0: i32) -> (i32, i32) {
    %c0_i32 = arith.constant 0 : i32
    %c0_i32_0 = arith.constant 0 : i32
    %c0_i32_1 = arith.constant 0 : i32
    return %c0_i32, %c0_i32_0 : i32, i32
  }
  func.func @transform_13(%arg0: i32) -> (i32, i32) {
    %c0_i32 = arith.constant 0 : i32
    %c0_i32_0 = arith.constant 0 : i32
    %c0_i32_1 = arith.constant 0 : i32
    return %c0_i32, %c0_i32_0 : i32, i32
  }
  func.func @transform_14(%arg0: i32) -> (i32, i32, i32) {
    %c0_i32 = arith.constant 0 : i32
    %c0_i32_0 = arith.constant 0 : i32
    %c0_i32_1 = arith.constant 0 : i32
    return %arg0, %c0_i32, %c0_i32_0 : i32, i32, i32
  }
}

module attributes {stable_mosaic.version = 14 : i64} {
  func.func @_sa3fc_body(%arg0: memref<16x32x256xf32, #tpu.memory_space<vmem>>, %arg1: memref<16x32x1xf32, #tpu.memory_space<vmem>>, %arg2: memref<16x32x1xf32, #tpu.memory_space<vmem>>, %arg3: memref<16x32x1xf32, #tpu.memory_space<vmem>>, %arg4: memref<256x256xf32, #tpu.memory_space<vmem>>, %arg5: memref<8x256xf32, #tpu.memory_space<vmem>>, %arg6: memref<256x512xf32, #tpu.memory_space<vmem>>, %arg7: memref<512x1024xf32, #tpu.memory_space<vmem>>, %arg8: memref<1024x1024xf32, #tpu.memory_space<vmem>>, %arg9: memref<1x1024xf32, #tpu.memory_space<vmem>>, %arg10: memref<1024x1024xf32, #tpu.memory_space<vmem>>, %arg11: memref<1x1024xf32, #tpu.memory_space<vmem>>, %arg12: memref<1024x1xf32, #tpu.memory_space<vmem>>, %arg13: memref<1x1xf32, #tpu.memory_space<vmem>>, %arg14: memref<16x1xf32, #tpu.memory_space<vmem>>) attributes {dimension_semantics = [], scalar_prefetch = 0 : i64, scratch_operands = 0 : i64, tpu.core_type = #tpu.core_type<tc>} {
    %get3A = arith.constant 0 : index
    %get3A_0 = arith.constant 0 : index
    %get3A_1 = arith.constant 0 : index
    %get3A_2 = vector.load %arg0[%get3A, %get3A_0, %get3A_1] : memref<16x32x256xf32, #tpu.memory_space<vmem>>, vector<16x32x256xf32>
    %reshape3A = vector.shape_cast %get3A_2 : vector<16x32x256xf32> to vector<512x256xf32>
    %get3A_3 = arith.constant 0 : index
    %get3A_4 = arith.constant 0 : index
    %get3A_5 = arith.constant 0 : index
    %get3A_6 = vector.load %arg1[%get3A_3, %get3A_4, %get3A_5] : memref<16x32x1xf32, #tpu.memory_space<vmem>>, vector<16x32x1xf32>
    %reshape3A_7 = vector.shape_cast %get3A_6 : vector<16x32x1xf32> to vector<512x1xf32>
    %get3A_8 = arith.constant 0 : index
    %get3A_9 = arith.constant 0 : index
    %get3A_10 = arith.constant 0 : index
    %get3A_11 = vector.load %arg2[%get3A_8, %get3A_9, %get3A_10] : memref<16x32x1xf32, #tpu.memory_space<vmem>>, vector<16x32x1xf32>
    %reshape3A_12 = vector.shape_cast %get3A_11 : vector<16x32x1xf32> to vector<512x1xf32>
    %get3A_13 = arith.constant 0 : index
    %get3A_14 = arith.constant 0 : index
    %get3A_15 = arith.constant 0 : index
    %get3A_16 = vector.load %arg3[%get3A_13, %get3A_14, %get3A_15] : memref<16x32x1xf32, #tpu.memory_space<vmem>>, vector<16x32x1xf32>
    %reshape3A_17 = vector.shape_cast %get3A_16 : vector<16x32x1xf32> to vector<512x1xf32>
    %get3A_18 = arith.constant 0 : index
    %get3A_19 = arith.constant 0 : index
    %get3A_20 = vector.load %arg5[%get3A_18, %get3A_19] : memref<8x256xf32, #tpu.memory_space<vmem>>, vector<1x256xf32>
    %get3A_21 = arith.constant 1 : index
    %get3A_22 = arith.constant 0 : index
    %get3A_23 = vector.load %arg5[%get3A_21, %get3A_22] : memref<8x256xf32, #tpu.memory_space<vmem>>, vector<1x256xf32>
    %get3A_24 = arith.constant 2 : index
    %get3A_25 = arith.constant 0 : index
    %get3A_26 = vector.load %arg5[%get3A_24, %get3A_25] : memref<8x256xf32, #tpu.memory_space<vmem>>, vector<1x256xf32>
    %get3A_27 = arith.constant 0 : index
    %get3A_28 = arith.constant 0 : index
    %get3A_29 = vector.load %arg4[%get3A_27, %get3A_28] : memref<256x256xf32, #tpu.memory_space<vmem>>, vector<256x256xf32>
    %dot_general3A = arith.constant dense<0.000000e+00> : vector<512x256xf32>
    %dot_general3A_30 = tpu.matmul %reshape3A, %get3A_29, %dot_general3A {dimension_numbers = #tpu.dot_dimension_numbers<[1], [0], [0], [1], [0, 0, 1, 1], [], []>, transpose_lhs_hint = false} : vector<512x256xf32>, vector<256x256xf32>, vector<512x256xf32> -> vector<512x256xf32>
    %mul3A = vector.broadcast %reshape3A_7 : vector<512x1xf32> to vector<512x256xf32>
    %mul3A_31 = vector.broadcast %get3A_20 : vector<1x256xf32> to vector<512x256xf32>
    %mul3A_32 = arith.mulf %mul3A, %mul3A_31 : vector<512x256xf32>
    %add3A = arith.addf %dot_general3A_30, %mul3A_32 : vector<512x256xf32>
    %mul3A_33 = vector.broadcast %reshape3A_12 : vector<512x1xf32> to vector<512x256xf32>
    %mul3A_34 = vector.broadcast %get3A_23 : vector<1x256xf32> to vector<512x256xf32>
    %mul3A_35 = arith.mulf %mul3A_33, %mul3A_34 : vector<512x256xf32>
    %add3A_36 = arith.addf %add3A, %mul3A_35 : vector<512x256xf32>
    %mul3A_37 = vector.broadcast %reshape3A_17 : vector<512x1xf32> to vector<512x256xf32>
    %mul3A_38 = vector.broadcast %get3A_26 : vector<1x256xf32> to vector<512x256xf32>
    %mul3A_39 = arith.mulf %mul3A_37, %mul3A_38 : vector<512x256xf32>
    %add3A_40 = arith.addf %add3A_36, %mul3A_39 : vector<512x256xf32>
    %mul3A_41 = arith.constant 0.999994993 : f32
    %mul3A_42 = vector.broadcast %mul3A_41 : f32 to vector<512x256xf32>
    %mul3A_43 = arith.mulf %add3A_40, %mul3A_42 : vector<512x256xf32>
    %max3A = arith.constant 0.000000e+00 : f32
    %max3A_44 = vector.broadcast %max3A : f32 to vector<512x256xf32>
    %max3A_45 = arith.maximumf %mul3A_43, %max3A_44 : vector<512x256xf32>
    %get3A_46 = arith.constant 0 : index
    %get3A_47 = arith.constant 0 : index
    %get3A_48 = vector.load %arg6[%get3A_46, %get3A_47] : memref<256x512xf32, #tpu.memory_space<vmem>>, vector<256x512xf32>
    %dot_general3A_49 = arith.constant dense<0.000000e+00> : vector<512x512xf32>
    %dot_general3A_50 = tpu.matmul %max3A_45, %get3A_48, %dot_general3A_49 {dimension_numbers = #tpu.dot_dimension_numbers<[1], [0], [0], [1], [0, 0, 1, 1], [], []>, transpose_lhs_hint = false} : vector<512x256xf32>, vector<256x512xf32>, vector<512x512xf32> -> vector<512x512xf32>
    %mul3A_51 = arith.constant 0.999994993 : f32
    %mul3A_52 = vector.broadcast %mul3A_51 : f32 to vector<512x512xf32>
    %mul3A_53 = arith.mulf %dot_general3A_50, %mul3A_52 : vector<512x512xf32>
    %max3A_54 = arith.constant 0.000000e+00 : f32
    %max3A_55 = vector.broadcast %max3A_54 : f32 to vector<512x512xf32>
    %max3A_56 = arith.maximumf %mul3A_53, %max3A_55 : vector<512x512xf32>
    %get3A_57 = arith.constant 0 : index
    %get3A_58 = arith.constant 0 : index
    %get3A_59 = vector.load %arg7[%get3A_57, %get3A_58] : memref<512x1024xf32, #tpu.memory_space<vmem>>, vector<512x1024xf32>
    %dot_general3A_60 = arith.constant dense<0.000000e+00> : vector<512x1024xf32>
    %dot_general3A_61 = tpu.matmul %max3A_56, %get3A_59, %dot_general3A_60 {dimension_numbers = #tpu.dot_dimension_numbers<[1], [0], [0], [1], [0, 0, 1, 1], [], []>, transpose_lhs_hint = false} : vector<512x512xf32>, vector<512x1024xf32>, vector<512x1024xf32> -> vector<512x1024xf32>
    %mul3A_62 = arith.constant 0.999994993 : f32
    %mul3A_63 = vector.broadcast %mul3A_62 : f32 to vector<512x1024xf32>
    %mul3A_64 = arith.mulf %dot_general3A_61, %mul3A_63 : vector<512x1024xf32>
    %max3A_65 = arith.constant 0.000000e+00 : f32
    %max3A_66 = vector.broadcast %max3A_65 : f32 to vector<512x1024xf32>
    %max3A_67 = arith.maximumf %mul3A_64, %max3A_66 : vector<512x1024xf32>
    %reshape3A_68 = vector.shape_cast %max3A_67 : vector<512x1024xf32> to vector<16x32x1024xf32>
    %reduce_max3A = arith.constant dense<0xFF800000> : vector<16x1024xf32>
    %reduce_max3A_69 = vector.multi_reduction <maximumf>, %reshape3A_68, %reduce_max3A [1] : vector<16x32x1024xf32> to vector<16x1024xf32>
    %get3A_70 = arith.constant 0 : index
    %get3A_71 = arith.constant 0 : index
    %get3A_72 = vector.load %arg8[%get3A_70, %get3A_71] : memref<1024x1024xf32, #tpu.memory_space<vmem>>, vector<1024x1024xf32>
    %dot_general3A_73 = arith.constant dense<0.000000e+00> : vector<16x1024xf32>
    %dot_general3A_74 = tpu.matmul %reduce_max3A_69, %get3A_72, %dot_general3A_73 {dimension_numbers = #tpu.dot_dimension_numbers<[1], [0], [0], [1], [0, 0, 1, 1], [], []>, transpose_lhs_hint = false} : vector<16x1024xf32>, vector<1024x1024xf32>, vector<16x1024xf32> -> vector<16x1024xf32>
    %get3A_75 = arith.constant 0 : index
    %get3A_76 = arith.constant 0 : index
    %get3A_77 = vector.load %arg9[%get3A_75, %get3A_76] : memref<1x1024xf32, #tpu.memory_space<vmem>>, vector<1x1024xf32>
    %add3A_78 = vector.broadcast %get3A_77 : vector<1x1024xf32> to vector<16x1024xf32>
    %add3A_79 = arith.addf %dot_general3A_74, %add3A_78 : vector<16x1024xf32>
    %mul3A_80 = arith.constant 0.999994993 : f32
    %mul3A_81 = vector.broadcast %mul3A_80 : f32 to vector<16x1024xf32>
    %mul3A_82 = arith.mulf %add3A_79, %mul3A_81 : vector<16x1024xf32>
    %max3A_83 = arith.constant 0.000000e+00 : f32
    %max3A_84 = vector.broadcast %max3A_83 : f32 to vector<16x1024xf32>
    %max3A_85 = arith.maximumf %mul3A_82, %max3A_84 : vector<16x1024xf32>
    %get3A_86 = arith.constant 0 : index
    %get3A_87 = arith.constant 0 : index
    %get3A_88 = vector.load %arg10[%get3A_86, %get3A_87] : memref<1024x1024xf32, #tpu.memory_space<vmem>>, vector<1024x1024xf32>
    %dot_general3A_89 = arith.constant dense<0.000000e+00> : vector<16x1024xf32>
    %dot_general3A_90 = tpu.matmul %max3A_85, %get3A_88, %dot_general3A_89 {dimension_numbers = #tpu.dot_dimension_numbers<[1], [0], [0], [1], [0, 0, 1, 1], [], []>, transpose_lhs_hint = false} : vector<16x1024xf32>, vector<1024x1024xf32>, vector<16x1024xf32> -> vector<16x1024xf32>
    %get3A_91 = arith.constant 0 : index
    %get3A_92 = arith.constant 0 : index
    %get3A_93 = vector.load %arg11[%get3A_91, %get3A_92] : memref<1x1024xf32, #tpu.memory_space<vmem>>, vector<1x1024xf32>
    %add3A_94 = vector.broadcast %get3A_93 : vector<1x1024xf32> to vector<16x1024xf32>
    %add3A_95 = arith.addf %dot_general3A_90, %add3A_94 : vector<16x1024xf32>
    %mul3A_96 = arith.constant 0.999994993 : f32
    %mul3A_97 = vector.broadcast %mul3A_96 : f32 to vector<16x1024xf32>
    %mul3A_98 = arith.mulf %add3A_95, %mul3A_97 : vector<16x1024xf32>
    %max3A_99 = arith.constant 0.000000e+00 : f32
    %max3A_100 = vector.broadcast %max3A_99 : f32 to vector<16x1024xf32>
    %max3A_101 = arith.maximumf %mul3A_98, %max3A_100 : vector<16x1024xf32>
    %get3A_102 = arith.constant 0 : index
    %get3A_103 = arith.constant 0 : index
    %get3A_104 = vector.load %arg12[%get3A_102, %get3A_103] : memref<1024x1xf32, #tpu.memory_space<vmem>>, vector<1024x1xf32>
    %dot_general3A_105 = arith.constant dense<0.000000e+00> : vector<16x1xf32>
    %dot_general3A_106 = tpu.matmul %max3A_101, %get3A_104, %dot_general3A_105 {dimension_numbers = #tpu.dot_dimension_numbers<[1], [0], [0], [1], [0, 0, 1, 1], [], []>, transpose_lhs_hint = false} : vector<16x1024xf32>, vector<1024x1xf32>, vector<16x1xf32> -> vector<16x1xf32>
    %get3A_107 = arith.constant 0 : index
    %get3A_108 = arith.constant 0 : index
    %get3A_109 = vector.load %arg13[%get3A_107, %get3A_108] : memref<1x1xf32, #tpu.memory_space<vmem>>, vector<1x1xf32>
    %add3A_110 = vector.broadcast %get3A_109 : vector<1x1xf32> to vector<16x1xf32>
    %add3A_111 = arith.addf %dot_general3A_106, %add3A_110 : vector<16x1xf32>
    %neg3A = arith.constant 0.000000e+00 : f32
    %neg3A_112 = vector.broadcast %neg3A : f32 to vector<16x1xf32>
    %neg3A_113 = arith.subf %neg3A_112, %add3A_111 : vector<16x1xf32>
    %exp3A = math.exp %neg3A_113 : vector<16x1xf32>
    %add3A_114 = arith.constant 1.000000e+00 : f32
    %add3A_115 = vector.broadcast %add3A_114 : f32 to vector<16x1xf32>
    %add3A_116 = arith.addf %add3A_115, %exp3A : vector<16x1xf32>
    %div3A = arith.constant 1.000000e+00 : f32
    %div3A_117 = vector.broadcast %div3A : f32 to vector<16x1xf32>
    %div3A_118 = arith.divf %div3A_117, %add3A_116 : vector<16x1xf32>
    %swap3A = arith.constant 0 : index
    %swap3A_119 = arith.constant 0 : index
    %swap3A_120 = vector.load %arg14[%swap3A, %swap3A_119] : memref<16x1xf32, #tpu.memory_space<vmem>>, vector<16x1xf32>
    tpu.vector_store %arg14[%swap3A, %swap3A_119], %div3A_118 {strides = array<i32>} : memref<16x1xf32, #tpu.memory_space<vmem>>, vector<16x1xf32>,
    return
  }
}

</mosaic_0001>

<sc_bundles>
// kernel: kernel.8.cloned.1.call-start
scs
__scs_entry_jumppad:
0x0: {  	(pc) =	sbr.rel $0x88, $3  }
0x1: {  	(tag) =	ssettag $0x0;
	lr =	simm.s32 $0x1  }
0x2: {  	[smem:$0x3F90] =	sst lr;
	_ =	strace $0xD0000000  }
0x3: {  	_ = 	snop  }
0x4: {  	_ = 	snop  }
0x5: {  	_ = 	snop  }
0x6: {  	_ = 	snop  }
0x7: {  	_ = 	snop  }
__scs_overlays_trampoline_lowered:
0x8: {  	[smem:$0x3F9F] =	sst s0  }
0x9: {  	[smem:$0x3FA0] =	sst s1  }
0xa: {  	[smem:$0x3FA1] =	sst s2  }
0xb: {  	[smem:$0x3FA2] =	sst s3  }
0xc: {  	[smem:$0x3FA3] =	sst s4  }
0xd: {  	[smem:$0x3FA4] =	sst s5  }
0xe: {  	[smem:$0x3FA5] =	sst s6  }
0xf: {  	[smem:$0x3FA6] =	sst s7  }
0x10: {  	[smem:$0x3FA7] =	sst s8  }
0x11: {  	[smem:$0x3FA8] =	sst s9;
	s0 =	simm.s32 @!p0 $0x0  }
0x12: {  	s1 =	sld [smem:$0x3F8E];
	s0 =	simm.s32 @p0 $0x1  }
0x13: {  	[smem:$0x3FA9] =	sst s0;
	s0 =	simm.s32 @!p1 $0x0  }
0x14: {  	s2 =	sld [smem:$0x3F8D];
	s0 =	simm.s32 @p1 $0x1  }
0x15: {  	[smem:$0x3FAA] =	sst s0;
	s0 =	simm.s32 @!p2 $0x0  }
0x16: {  	s3 =	sld [smem:$0x3FDB];
	s0 =	simm.s32 @p2 $0x1  }
0x17: {  	s4 =	simm.s32 $0x1BF5;
	[smem:$0x3FAC] =	sst s0  }
0x18: {  	s0 =	sld [smem:$0x3F8F];
	_ =	swait.ge [sflag:s4], $0x0  }
0x19: {  	s7 =	sld [smem:$0x3F90]  }
0x1a: {  	s8 =	sadd.s32 $0xFFFFE003, lr  }
0x1b: {  	s9 =	sadd.s32 $0xFFFFFEF7, lr;
	s5 =	simm.s32 $0xFFFFFFFF;
	p2 =	slt.u32 s8, $0xFFFFF086  }
0x1c: {  	p1 =	slt.u32 s9, $0xF7A;
	s5 =	simm.s32 @!p2 $0x0  }
0x1d: {  	s5 =	simm.s32 @p1 $0x1;
	p0 =	seq.s32 s7, s2  }
0x1e: {  	s7 =	smul.u32 @!p0 $0xF7A, s2;
	p2 =	seq.s32 @!p0 s5, $0x0  }
0x1f: {  	s9 =	smul.u32 $0xF7A, s1;
	s8 =	simm.s32 @!p0 $0x1BF5;
	p2 =	por !p2, p0  }
0x20: {  	[sflag:s8] =	ssyncset.s32 @!p0 $0xFFFFF086;
	s6 =	sadd.s32 @!p0 s3, s7;
	s7 =	simm.s32 @!p0 $0x108  }
0x21: {  	s3 =	sadd.s32 s3, s9;
	s6 =	sadd.s32 @!p0 $0x88, s6;
	s7 =	simm.s32 @p2 $0x1082  }
0x22: {  	[simem:s7], [sflag:s8] =	dma.local @!p0 [hbm:s6], $0xF7A  }
0x23: {  	s9 =	sor.u32 $0xD0000000, s2;
	s6 =	simm.s32 $0x108;
	_ =	swait.ge @!p0 [sflag:s8], $0x0  }
0x24: {  	s3 =	sadd.s32 $0x88, s3;
	s6 =	simm.s32 @!p1 $0x1082;
	[sflag:s4] =	ssyncset.s32 $0xFFFFF086  }
0x25: {  	[simem:s6], [sflag:s4] =	dma.local [hbm:s3], $0xF7A  }
0x26: {  	[smem:$0x3F90] =	sst s1;
	(tag) =	ssettag s2;
	_ =	strace s9  }
0x27: {  	s1 =	sld [smem:$0x3FA0]  }
0x28: {  	s2 =	sld [smem:$0x3FA1]  }
0x29: {  	s4 =	sld [smem:$0x3FA3]  }
0x2a: {  	p0 =	seq.s32 s5, $0x0;
	s5 =	sld [smem:$0x3FA4]  }
0x2b: {  	s6 =	sld [smem:$0x3FA5]  }
0x2c: {  	s7 =	sld [smem:$0x3FA6]  }
0x2d: {  	s3 =	simm.s32 $0x108;
	s8 =	sld [smem:$0x3FA7]  }
0x2e: {  	s3 =	simm.s32 @!p0 $0x1082;
	s9 =	sld [smem:$0x3FA8]  }
0x2f: {  	lr =	sadd.s32 s0, s3;
	s0 =	sld [smem:$0x3F9F]  }
0x30: {  	s3 =	sld [smem:$0x3FA2]  }
0x31: {  	[smem:$0x3FAB] =	sst s10  }
0x32: {  	s10 =	sld [smem:$0x3FA9];
	_ =	sdelay $0x3  }
0x33: {  	p0 =	seq.s32 s10, $0x1;
	s10 =	sld [smem:$0x3FAB];
	_ =	sdelay $0x3  }
0x34: {  	[smem:$0x3FAB] =	sst s10  }
0x35: {  	s10 =	sld [smem:$0x3FAA];
	_ =	sdelay $0x3  }
0x36: {  	p1 =	seq.s32 s10, $0x1;
	s10 =	sld [smem:$0x3FAB];
	_ =	sdelay $0x3  }
0x37: {  	[smem:$0x3FAB] =	sst s10  }
0x38: {  	s10 =	sld [smem:$0x3FAC]  }
0x39: {  	_ = 	snop;
	(pc) =	sbr.ind lr, $3  }
0x3a: {  	_ = 	snop  }
0x3b: {  	_ = 	snop  }
0x3c: {  	p2 =	seq.s32 s10, $0x1;
	s10 =	sld [smem:$0x3FAB]  }
0x3d: {  	_ =	shalt  }
0x3e: {  	_ =	shalt  }
0x3f: {  	_ =	shalt  }
0x40: {  	_ =	shalt  }
0x41: {  	_ =	shalt  }
0x42: {  	_ =	shalt  }
0x43: {  	_ =	shalt  }
0x44: {  	_ =	shalt  }
0x45: {  	_ =	shalt  }
0x46: {  	_ =	shalt  }
0x47: {  	_ =	shalt  }
0x48: {  	_ =	shalt  }
0x49: {  	_ =	shalt  }
0x4a: {  	_ =	shalt  }
0x4b: {  	_ =	shalt  }
0x4c: {  	_ =	shalt  }
0x4d: {  	_ =	shalt  }
0x4e: {  	_ =	shalt  }
0x4f: {  	_ =	shalt  }
0x50: {  	_ =	shalt  }
0x51: {  	_ =	shalt  }
0x52: {  	_ =	shalt  }
0x53: {  	_ =	shalt  }
0x54: {  	_ =	shalt  }
0x55: {  	_ =	shalt  }
0x56: {  	_ =	shalt  }
0x57: {  	_ =	shalt  }
0x58: {  	_ =	shalt  }
0x59: {  	_ =	shalt  }
0x5a: {  	_ =	shalt  }
0x5b: {  	_ =	shalt  }
0x5c: {  	_ =	shalt  }
0x5d: {  	_ =	shalt  }
0x5e: {  	_ =	shalt  }
0x5f: {  	_ =	shalt  }
0x60: {  	_ =	shalt  }
0x61: {  	_ =	shalt  }
0x62: {  	_ =	shalt  }
0x63: {  	_ =	shalt  }
0x64: {  	_ =	shalt  }
0x65: {  	_ =	shalt  }
0x66: {  	_ =	shalt  }
0x67: {  	_ =	shalt  }
0x68: {  	_ =	shalt  }
0x69: {  	_ =	shalt  }
0x6a: {  	_ =	shalt  }
0x6b: {  	_ =	shalt  }
0x6c: {  	_ =	shalt  }
0x6d: {  	_ =	shalt  }
0x6e: {  	_ =	shalt  }
0x6f: {  	_ =	shalt  }
0x70: {  	_ =	shalt  }
0x71: {  	_ =	shalt  }
0x72: {  	_ =	shalt  }
0x73: {  	_ =	shalt  }
0x74: {  	_ =	shalt  }
0x75: {  	_ =	shalt  }
0x76: {  	_ =	shalt  }
0x77: {  	_ =	shalt  }
0x78: {  	_ =	shalt  }
0x79: {  	_ =	shalt  }
0x7a: {  	_ =	shalt  }
0x7b: {  	_ =	shalt  }
0x7c: {  	_ =	shalt  }
0x7d: {  	_ =	shalt  }
0x7e: {  	_ =	shalt  }
0x7f: {  	_ =	shalt  }
0x80: {  	_ =	shalt  }
0x81: {  	_ =	shalt  }
0x82: {  	_ =	shalt  }
0x83: {  	_ =	shalt  }
0x84: {  	_ =	shalt  }
0x85: {  	_ =	shalt  }
0x86: {  	_ =	shalt  }
0x87: {  	_ =	shalt  }
.Lfunc_end0:
.L_simem_size_0:
called_computation_lowered:
.L_overlay_start_0:
0x88: {  	s2 =	sld [smem:$0x3FD9]  }
0x89: {  	s3 =	sld [smem:$0x3FFE];
	_ =	sdelay $0x1  }
0x8a: {  	s1 =	srdreg.scid  }
0x8b: {  	s0 =	sand.u32 $0x1, s1  }
0x8c: {  	s16 =	sshll.u32 s0, $0xA;
	s2 =	sadd.s32 s3, s2  }
0x8d: {  	s2 =	sadd.s32 s2, s16  }
0x8e: {  	[smem:$0x3FB7] =	sst s2  }
0x8f: {  	_ = 	snop  }
0x90: {  	(tm) =	ssettm $0x1  }
0x91: {  	s17 =	sld [smem:$0x3FFB];
	_ =	sdelay $0x3  }
0x92: {  	_ =	strace s17  }
0x93: {  	s2 =	sld [smem:$0x3FFC];
	_ =	sdelay $0x3  }
0x94: {  	_ =	strace s2  }
0x95: {  	s2 =	sld [smem:$0x3FFD];
	_ =	sdelay $0x3  }
0x96: {  	_ =	strace s2  }
0x97: {  	_ =	strace $0x8FFFFFFF  }
0x98: {  	s18 =	sld [smem:$0x3FDB];
	_ =	sdelay $0x1  }
0x99: {  	s19 =	simm.s32 $_scs_section_size  }
0x9a: {  	s4 =	simm.s32 $_size__tile_overlayer_lowered;
	s5 =	simm.s32 $_tile_overlayer_lowered  }
0x9b: {  	s22 =	simm.s32 $0x1BFF;
	s21 =	sshll.u32 s5, $0x1;
	s2 =	sadd.s32 s19, s18  }
0x9c: {  	s6 =	simm.s32 $0x0;
	s20 =	sshll.u32 s4, $0x1;
	s4 =	sadd.s32 s21, s2  }
0x9d: {  	[timem:s6], [sflag:s22] =	dma.local [hbm:s4], s20  }
0x9e: {  	_ =	swait.ge [sflag:s22], s20  }
0x9f: {  	s3 =	ssub.s32 $0x0, s20;
	[sflag:s22] =	ssyncset.done $0x0  }
0xa0: {  	[sflag:s22] =	ssyncadd.s32 s3;
	_ =	sdelay $0x1  }
0xa1: {  	s23 =	simm.s32 $0x1B8B  }
0xa2: {  	_ =	swait.ge [sflag:s23], $0x1  }
0xa3: {  	[sflag:s23] =	ssyncset.done $0x0  }
0xa4: {  	s25 =	simm.s32 $0x1B8E;
	s24 =	sld [smem:$0x3FFE];
	[sflag:s23] =	ssyncadd.s32 $0xFFFFFFFF  }
0xa5: {  	s26 =	simm.s32 $execute0_lowered;
	[smem:$0x3FD2] =	sst s25  }
0xa6: {  	s4 =	sshll.u32 s26, $0x1;
	_ =	strace $0x80000046;
	[dreg:$0x1] =	wrdreg $0xFFFFFFFF  }
0xa7: {  	s28 =	simm.s32 $_size_execute0_lowered;
	s2 =	sadd.s32 s2, s4;
	[dreg:$0x0] =	wrdreg $0x0  }
0xa8: {  	s4 =	sshll.u32 s28, $0x1;
	[dreg:$0x2] =	wrdreg s2  }
0xa9: {  	[dreg:$0x3] =	wrdreg s4  }
0xaa: {  	[dreg:$0x4] =	wrdreg $0xC0  }
0xab: {  	_ =	task [dreg:s6], $0x5FFFF  }
0xac: {  	[dreg:$0x1] =	wrdreg $0xFFFFFFFF  }
0xad: {  	[dreg:$0x0] =	wrdreg $0x60  }
0xae: {  	[dreg:$0x2] =	wrdreg s24  }
0xaf: {  	[dreg:$0x3] =	wrdreg $0x9  }
0xb0: {  	_ =	task.clear_ibuf [dreg:s6], $0x4FFFF;
	_ =	strace $0x90000046  }
0xb1: {  	s29 =	simm.s32 $0x9;
	_ =	strace $0x80000048  }
0xb2: {  	_ =	swait.ge [sflag:s29], $0x1  }
0xb3: {  	[sflag:s29] =	ssyncadd.s32 $0xFFFFFFFF  }
0xb4: {  	_ =	strace $0x90000048  }
0xb5: {  	_ =	sfence  }
0xb6: {  	s30 =	sld [smem:$0x0];
	_ =	sdelay $0x2  }
0xb7: {  	s31 =	sshll.u32 s1, $0xD;
	s1 =	sshrl.u32 s1, $0x2  }
0xb8: {  	s3 =	sand.u32 $0x4000, s31;
	s1 =	sadd.s32 s1, s30  }
0xb9: {  	s0 =	sor.u32 s3, s0;
	s1 =	sshll.u32 s1, $0x11  }
0xba: {  	s0 =	sor.u32 s1, s0  }
0xbb: {  	s0 =	sadd.s32 $0x8F2B, s0  }
0xbc: {  	[sflag:s0] =	ssyncadd.remote.s32 $0x1  }
0xbd: {  	_ =	sfence.sel $0xFFFF  }
0xbe: {  	[dreg:$0x0] =	wrdreg $0xFFFFFFFF;
	(pc) =	sbr.abs _section_cstart, $3  }
0xbf: {  	[dreg:$0x1] =	wrdreg $0xFFFFFFFF  }
0xc0: {  	_ =	task.clear_ibuf [dreg:s6], $0x2FFFF;
	_ =	strace $0x9FFFFFFF  }
0xc1: {  	(tm) =	ssettm $0x7FFFFFFF  }
tec
execute0_lowered:
.L_overlay_start_1:
0x0: {  	(tag) =	ssettag $0x1  }
0x1: {  	s0 =	srdreg.scid  }
0x2: {  	s2 =	stileid.u32;
	s1 =	sand.u32 $0x1, s0  }
0x3: {  	s2 =	sshll.u32 s2, $0x6;
	s3 =	sshll.u32 s1, $0x5  }
0x4: {  	s0 =	rddreg [dreg:$0x0];
	s3 =	sor.u32 s3, s2;
	s2 =	simm.s32 $0x0  }
0x5: {  	s10 =	simm.s32 $0x1400;
	[smem:$0x7FF] =	sst s2  }
0x6: {  	s11 =	simm.s32 $0x100;
	_ =	strace $0x80000047;
	[dreg:$0x4] =	wrdreg s10  }
0x7: {  	s12 =	simm.s32 $0x1800;
	[dreg:$0x5] =	wrdreg s11  }
0x8: {  	s13 =	simm.s32 $0x180;
	[dreg:$0x6] =	wrdreg s12  }
0x9: {  	s14 =	simm.s32 $0x1C00;
	[dreg:$0x7] =	wrdreg s13  }
0xa: {  	s15 =	simm.s32 $0x200;
	[dreg:$0x8] =	wrdreg s14  }
0xb: {  	s16 =	simm.s32 $0x2000;
	[dreg:$0x9] =	wrdreg s15  }
0xc: {  	s17 =	simm.s32 $0x280;
	[dreg:$0xa] =	wrdreg s16  }
0xd: {  	s18 =	simm.s32 $0x2400;
	[dreg:$0xb] =	wrdreg s17  }
0xe: {  	s19 =	simm.s32 $0x300;
	[dreg:$0xc] =	wrdreg s18  }
0xf: {  	s20 =	simm.s32 $0x2800;
	[dreg:$0xd] =	wrdreg s19  }
0x10: {  	s21 =	simm.s32 $0x380;
	[dreg:$0xe] =	wrdreg s20  }
0x11: {  	s22 =	simm.s32 $0x2C00;
	[dreg:$0xf] =	wrdreg s21  }
0x12: {  	s23 =	simm.s32 $0x400;
	[dreg:$0x10] =	wrdreg s22  }
0x13: {  	s24 =	simm.s32 $0x3000;
	[dreg:$0x11] =	wrdreg s23  }
0x14: {  	s25 =	simm.s32 $0x480;
	[dreg:$0x12] =	wrdreg s24  }
0x15: {  	s26 =	simm.s32 $0x3400;
	[dreg:$0x13] =	wrdreg s25  }
0x16: {  	s5 =	simm.s32 $0x3800;
	[dreg:$0x14] =	wrdreg s26  }
0x17: {  	s6 =	simm.s32 $0x580;
	[dreg:$0x16] =	wrdreg s5  }
0x18: {  	s7 =	simm.s32 $0x3C00;
	[dreg:$0x17] =	wrdreg s6  }
0x19: {  	s8 =	simm.s32 $0x600;
	[dreg:$0x18] =	wrdreg s7  }
0x1a: {  	s9 =	simm.s32 $0x4000;
	[dreg:$0x19] =	wrdreg s8  }
0x1b: {  	[dreg:$0x1a] =	wrdreg s9;
	s10 =	simm.s32 $0x680  }
0x1c: {  	s11 =	simm.s32 $0x4400;
	[dreg:$0x1b] =	wrdreg s10  }
0x1d: {  	s12 =	simm.s32 $0x700;
	[dreg:$0x1c] =	wrdreg s11  }
0x1e: {  	s13 =	simm.s32 $0x4800;
	[dreg:$0x1d] =	wrdreg s12  }
0x1f: {  	s14 =	simm.s32 $0x780;
	[dreg:$0x1e] =	wrdreg s13  }
0x20: {  	s15 =	simm.s32 $0x4C00;
	[dreg:$0x1f] =	wrdreg s14  }
0x21: {  	s16 =	simm.s32 $0x800;
	[smem:$0x7F8] =	sst s15  }
0x22: {  	s17 =	simm.s32 $0x5000;
	[smem:$0x7F9] =	sst s16  }
0x23: {  	s18 =	simm.s32 $0x880;
	[smem:$0x7F7] =	sst s17  }
0x24: {  	s19 =	simm.s32 $0x5400;
	[smem:$0x7FA] =	sst s18  }
0x25: {  	s20 =	simm.s32 $0x900;
	[smem:$0x7F6] =	sst s19  }
0x26: {  	s21 =	simm.s32 $0x5800;
	[smem:$0x7FB] =	sst s20  }
0x27: {  	s4 =	sshll.u32 s3, $0x4;
	s22 =	simm.s32 $0x980;
	[smem:$0x7F5] =	sst s21  }
0x28: {  	s3 =	sshll.u32 s3, $0x7;
	s23 =	simm.s32 $0x5C00;
	[smem:$0x7FC] =	sst s22  }
0x29: {  	s4 =	sadd.s32 s4, s0;
	s5 =	simm.s32 $0xA00;
	[smem:$0x7F4] =	sst s23  }
0x2a: {  	s3 =	sadd.s32 s3, s0;
	s4 =	sadd.s32 $0x2C00, s4;
	[smem:$0x7FD] =	sst s5  }
0x2b: {  	s3 =	sadd.s32 $0x6C00, s3;
	[dreg:$0x2] =	wrdreg s4  }
0x2c: {  	[dreg:$0x3] =	wrdreg s3;
	s4 =	simm.s32 $0x500  }
0x2d: {  	[dreg:$0x15] =	wrdreg s4  }
0x2e: {  	s3 =	simm.s32 $0x2;
	s4 =	rddreg [dreg:$0x2]  }
0x2f: {  	[tilespmem:s2], [sflag:$0x2] =	stream.linear.gather [hbm4b:s4+s2], $0x1000, $0x38;
	[tilespmem:$0x9000] =	vst v63  }
0x30: {  	_ =	swait.ge [sflag:s3], $0x1000  }
0x31: {  	s7 =	sld [smem:$0x7F4]  }
0x32: {  	s8 =	sld [smem:$0x7F5]  }
0x33: {  	s9 =	sld [smem:$0x7F6]  }
0x34: {  	s10 =	sld [smem:$0x7F7]  }
0x35: {  	s11 =	sld [smem:$0x7F8]  }
0x36: {  	s12 =	rddreg [dreg:$0x1e]  }
0x37: {  	s13 =	rddreg [dreg:$0x1c]  }
0x38: {  	s14 =	rddreg [dreg:$0x1a]  }
0x39: {  	s15 =	rddreg [dreg:$0x18]  }
0x3a: {  	s16 =	rddreg [dreg:$0x16]  }
0x3b: {  	s17 =	rddreg [dreg:$0x14]  }
0x3c: {  	s18 =	rddreg [dreg:$0x12]  }
0x3d: {  	s19 =	rddreg [dreg:$0x10]  }
0x3e: {  	s20 =	rddreg [dreg:$0xe]  }
0x3f: {  	s24 =	rddreg [dreg:$0x5]  }
0x40: {  	s21 =	rddreg [dreg:$0x4]  }
0x41: {  	s6 =	simm.s32 $0x80;
	s22 =	rddreg [dreg:$0x6]  }
0x42: {  	s5 =	sadd.s32 $0x102C00, s0;
	[sflag:s3] =	ssyncset.done $0x0;
	s23 =	rddreg [dreg:$0x8]  }
0x43: {  	s4 =	simm.s32 $0x1000;
	s25 =	rddreg [dreg:$0x7];
	[sflag:s3] =	ssyncadd.s32 $0xFFFFF000  }
0x44: {  	[tilespmem:s4], [sflag:$0x1] =	stream.indirect.gather [hbm4b:s5+s6], $0x8, s2, s6, $0xb8;
	[tilespmem:$0x9000] =	vst v63  }
0x45: {  	s26 =	rddreg [dreg:$0x9]  }
0x46: {  	[tilespmem:s21], [sflag:$0x1] =	stream.indirect.gather [hbm4b:s5+s6], $0x8, s6, s6, $0xb8;
	[tilespmem:$0x9000] =	vst v63  }
0x47: {  	s21 =	sld [smem:$0x7F9]  }
0x48: {  	[tilespmem:s22], [sflag:$0x1] =	stream.indirect.gather [hbm4b:s5+s6], $0x8, s24, s6, $0xb8;
	[tilespmem:$0x9000] =	vst v63  }
0x49: {  	s22 =	rddreg [dreg:$0xa]  }
0x4a: {  	[tilespmem:s23], [sflag:$0x1] =	stream.indirect.gather [hbm4b:s5+s6], $0x8, s25, s6, $0xb8;
	[tilespmem:$0x9000] =	vst v63  }
0x4b: {  	s24 =	rddreg [dreg:$0xc]  }
0x4c: {  	[tilespmem:s22], [sflag:$0x1] =	stream.indirect.gather [hbm4b:s5+s6], $0x8, s26, s6, $0xb8;
	[tilespmem:$0x9000] =	vst v63  }
0x4d: {  	s25 =	rddreg [dreg:$0xb]  }
0x4e: {  	[tilespmem:s24], [sflag:$0x1] =	stream.indirect.gather [hbm4b:s5+s6], $0x8, s25, s6, $0xb8;
	[tilespmem:$0x9000] =	vst v63  }
0x4f: {  	s26 =	rddreg [dreg:$0xd]  }
0x50: {  	[tilespmem:s20], [sflag:$0x1] =	stream.indirect.gather [hbm4b:s5+s6], $0x8, s26, s6, $0xb8;
	[tilespmem:$0x9000] =	vst v63  }
0x51: {  	s22 =	rddreg [dreg:$0xf]  }
0x52: {  	[tilespmem:s19], [sflag:$0x1] =	stream.indirect.gather [hbm4b:s5+s6], $0x8, s22, s6, $0xb8;
	[tilespmem:$0x9000] =	vst v63  }
0x53: {  	s23 =	rddreg [dreg:$0x11]  }
0x54: {  	[tilespmem:s18], [sflag:$0x1] =	stream.indirect.gather [hbm4b:s5+s6], $0x8, s23, s6, $0xb8;
	[tilespmem:$0x9000] =	vst v63  }
0x55: {  	s24 =	rddreg [dreg:$0x13]  }
0x56: {  	[tilespmem:s17], [sflag:$0x1] =	stream.indirect.gather [hbm4b:s5+s6], $0x8, s24, s6, $0xb8;
	[tilespmem:$0x9000] =	vst v63  }
0x57: {  	s25 =	rddreg [dreg:$0x15]  }
0x58: {  	[tilespmem:s16], [sflag:$0x1] =	stream.indirect.gather [hbm4b:s5+s6], $0x8, s25, s6, $0xb8;
	[tilespmem:$0x9000] =	vst v63  }
0x59: {  	s26 =	rddreg [dreg:$0x17]  }
0x5a: {  	[tilespmem:s15], [sflag:$0x1] =	stream.indirect.gather [hbm4b:s5+s6], $0x8, s26, s6, $0xb8;
	[tilespmem:$0x9000] =	vst v63  }
0x5b: {  	s16 =	rddreg [dreg:$0x19]  }
0x5c: {  	[tilespmem:s14], [sflag:$0x1] =	stream.indirect.gather [hbm4b:s5+s6], $0x8, s16, s6, $0xb8;
	[tilespmem:$0x9000] =	vst v63  }
0x5d: {  	s18 =	rddreg [dreg:$0x1b]  }
0x5e: {  	[tilespmem:s13], [sflag:$0x1] =	stream.indirect.gather [hbm4b:s5+s6], $0x8, s18, s6, $0xb8;
	[tilespmem:$0x9000] =	vst v63  }
0x5f: {  	s19 =	rddreg [dreg:$0x1d]  }
0x60: {  	[tilespmem:s12], [sflag:$0x1] =	stream.indirect.gather [hbm4b:s5+s6], $0x8, s19, s6, $0xb8;
	[tilespmem:$0x9000] =	vst v63  }
0x61: {  	s20 =	rddreg [dreg:$0x1f]  }
0x62: {  	[tilespmem:s11], [sflag:$0x1] =	stream.indirect.gather [hbm4b:s5+s6], $0x8, s20, s6, $0xb8;
	[tilespmem:$0x9000] =	vst v63  }
0x63: {  	s22 =	sld [smem:$0x7FA]  }
0x64: {  	[tilespmem:s10], [sflag:$0x1] =	stream.indirect.gather [hbm4b:s5+s6], $0x8, s21, s6, $0xb8;
	[tilespmem:$0x9000] =	vst v63  }
0x65: {  	s23 =	sld [smem:$0x7FB]  }
0x66: {  	[tilespmem:s9], [sflag:$0x1] =	stream.indirect.gather [hbm4b:s5+s6], $0x8, s22, s6, $0xb8;
	[tilespmem:$0x9000] =	vst v63  }
0x67: {  	s24 =	sld [smem:$0x7FC]  }
0x68: {  	[tilespmem:s8], [sflag:$0x1] =	stream.indirect.gather [hbm4b:s5+s6], $0x8, s23, s6, $0xb8;
	[tilespmem:$0x9000] =	vst v63  }
0x69: {  	s25 =	sld [smem:$0x7FD]  }
0x6a: {  	[tilespmem:s7], [sflag:$0x1] =	stream.indirect.gather [hbm4b:s5+s6], $0x8, s24, s6, $0xb8;
	[tilespmem:$0x9000] =	vst v63  }
0x6b: {  	s26 =	simm.s32 $0x6000  }
0x6c: {  	[tilespmem:s26], [sflag:$0x1] =	stream.indirect.gather [hbm4b:s5+s6], $0x8, s25, s6, $0xb8;
	[tilespmem:$0x9000] =	vst v63  }
0x6d: {  	s9 =	simm.s32 $0x6400;
	s8 =	simm.s32 $0xA80  }
0x6e: {  	[tilespmem:s9], [sflag:$0x1] =	stream.indirect.gather [hbm4b:s5+s6], $0x8, s8, s6, $0xb8;
	[tilespmem:$0x9000] =	vst v63  }
0x6f: {  	s11 =	simm.s32 $0x6800;
	s10 =	simm.s32 $0xB00  }
0x70: {  	[tilespmem:s11], [sflag:$0x1] =	stream.indirect.gather [hbm4b:s5+s6], $0x8, s10, s6, $0xb8;
	[tilespmem:$0x9000] =	vst v63  }
0x71: {  	s13 =	simm.s32 $0x6C00;
	s12 =	simm.s32 $0xB80  }
0x72: {  	[tilespmem:s13], [sflag:$0x1] =	stream.indirect.gather [hbm4b:s5+s6], $0x8, s12, s6, $0xb8;
	[tilespmem:$0x9000] =	vst v63  }
0x73: {  	s15 =	simm.s32 $0x7000;
	s14 =	simm.s32 $0xC00  }
0x74: {  	[tilespmem:s15], [sflag:$0x1] =	stream.indirect.gather [hbm4b:s5+s6], $0x8, s14, s6, $0xb8;
	[tilespmem:$0x9000] =	vst v63  }
0x75: {  	s17 =	simm.s32 $0x7400;
	s16 =	simm.s32 $0xC80  }
0x76: {  	[tilespmem:s17], [sflag:$0x1] =	stream.indirect.gather [hbm4b:s5+s6], $0x8, s16, s6, $0xb8;
	[tilespmem:$0x9000] =	vst v63  }
0x77: {  	s18 =	simm.s32 $0xD00;
	s19 =	simm.s32 $0x7800  }
0x78: {  	[tilespmem:s19], [sflag:$0x1] =	stream.indirect.gather [hbm4b:s5+s6], $0x8, s18, s6, $0xb8;
	[tilespmem:$0x9000] =	vst v63  }
0x79: {  	s20 =	simm.s32 $0xD80;
	s21 =	simm.s32 $0x7C00  }
0x7a: {  	[tilespmem:s21], [sflag:$0x1] =	stream.indirect.gather [hbm4b:s5+s6], $0x8, s20, s6, $0xb8;
	[tilespmem:$0x9000] =	vst v63  }
0x7b: {  	s22 =	simm.s32 $0xE00;
	s23 =	simm.s32 $0x8000  }
0x7c: {  	[tilespmem:s23], [sflag:$0x1] =	stream.indirect.gather [hbm4b:s5+s6], $0x8, s22, s6, $0xb8;
	[tilespmem:$0x9000] =	vst v63  }
0x7d: {  	s24 =	simm.s32 $0xE80;
	s25 =	simm.s32 $0x8400  }
0x7e: {  	[tilespmem:s25], [sflag:$0x1] =	stream.indirect.gather [hbm4b:s5+s6], $0x8, s24, s6, $0xb8;
	[tilespmem:$0x9000] =	vst v63  }
0x7f: {  	s28 =	simm.s32 $0xF00;
	s29 =	simm.s32 $0x8800  }
0x80: {  	[tilespmem:s29], [sflag:$0x1] =	stream.indirect.gather [hbm4b:s5+s6], $0x8, s28, s6, $0xb8;
	[tilespmem:$0x9000] =	vst v63  }
0x81: {  	s30 =	simm.s32 $0xF80;
	s31 =	simm.s32 $0x8C00;
	s20 =	simm.s32 $0x1  }
0x82: {  	[tilespmem:s31], [sflag:$0x1] =	stream.indirect.gather [hbm4b:s5+s6], $0x8, s30, s6, $0xb8;
	[tilespmem:$0x9000] =	vst v63  }
0x83: {  	_ =	swait.ge [sflag:s20], $0x400  }
0x84: {  	[sflag:s20] =	ssyncset.done $0x0  }
0x85: {  	[sflag:s20] =	ssyncadd.s32 $0xFFFFFC00  }
0x86: {  	_ =	swait.ge [sflag:s20], $0x400  }
0x87: {  	[sflag:s20] =	ssyncset.done $0x0  }
0x88: {  	[sflag:s20] =	ssyncadd.s32 $0xFFFFFC00  }
0x89: {  	_ =	swait.ge [sflag:s20], $0x400  }
0x8a: {  	[sflag:s20] =	ssyncset.done $0x0  }
0x8b: {  	[sflag:s20] =	ssyncadd.s32 $0xFFFFFC00  }
0x8c: {  	_ =	swait.ge [sflag:s20], $0x400  }
0x8d: {  	[sflag:s20] =	ssyncset.done $0x0  }
0x8e: {  	[sflag:s20] =	ssyncadd.s32 $0xFFFFFC00  }
0x8f: {  	_ =	swait.ge [sflag:s20], $0x400  }
0x90: {  	[sflag:s20] =	ssyncset.done $0x0  }
0x91: {  	[sflag:s20] =	ssyncadd.s32 $0xFFFFFC00  }
0x92: {  	_ =	swait.ge [sflag:s20], $0x400  }
0x93: {  	[sflag:s20] =	ssyncset.done $0x0  }
0x94: {  	[sflag:s20] =	ssyncadd.s32 $0xFFFFFC00  }
0x95: {  	_ =	swait.ge [sflag:s20], $0x400  }
0x96: {  	[sflag:s20] =	ssyncset.done $0x0  }
0x97: {  	[sflag:s20] =	ssyncadd.s32 $0xFFFFFC00  }
0x98: {  	_ =	swait.ge [sflag:s20], $0x400  }
0x99: {  	[sflag:s20] =	ssyncset.done $0x0  }
0x9a: {  	[sflag:s20] =	ssyncadd.s32 $0xFFFFFC00  }
0x9b: {  	_ =	swait.ge [sflag:s20], $0x400  }
0x9c: {  	[sflag:s20] =	ssyncset.done $0x0  }
0x9d: {  	[sflag:s20] =	ssyncadd.s32 $0xFFFFFC00  }
0x9e: {  	_ =	swait.ge [sflag:s20], $0x400  }
0x9f: {  	[sflag:s20] =	ssyncset.done $0x0  }
0xa0: {  	[sflag:s20] =	ssyncadd.s32 $0xFFFFFC00  }
0xa1: {  	_ =	swait.ge [sflag:s20], $0x400  }
0xa2: {  	[sflag:s20] =	ssyncset.done $0x0  }
0xa3: {  	[sflag:s20] =	ssyncadd.s32 $0xFFFFFC00  }
0xa4: {  	_ =	swait.ge [sflag:s20], $0x400  }
0xa5: {  	[sflag:s20] =	ssyncset.done $0x0  }
0xa6: {  	[sflag:s20] =	ssyncadd.s32 $0xFFFFFC00  }
0xa7: {  	_ =	swait.ge [sflag:s20], $0x400  }
0xa8: {  	[sflag:s20] =	ssyncset.done $0x0  }
0xa9: {  	[sflag:s20] =	ssyncadd.s32 $0xFFFFFC00  }
0xaa: {  	_ =	swait.ge [sflag:s20], $0x400  }
0xab: {  	[sflag:s20] =	ssyncset.done $0x0  }
0xac: {  	[sflag:s20] =	ssyncadd.s32 $0xFFFFFC00  }
0xad: {  	_ =	swait.ge [sflag:s20], $0x400  }
0xae: {  	[sflag:s20] =	ssyncset.done $0x0  }
0xaf: {  	[sflag:s20] =	ssyncadd.s32 $0xFFFFFC00  }
0xb0: {  	_ =	swait.ge [sflag:s20], $0x400  }
0xb1: {  	[sflag:s20] =	ssyncset.done $0x0  }
0xb2: {  	[sflag:s20] =	ssyncadd.s32 $0xFFFFFC00  }
0xb3: {  	_ =	swait.ge [sflag:s20], $0x400  }
0xb4: {  	[sflag:s20] =	ssyncset.done $0x0  }
0xb5: {  	[sflag:s20] =	ssyncadd.s32 $0xFFFFFC00  }
0xb6: {  	_ =	swait.ge [sflag:s20], $0x400  }
0xb7: {  	[sflag:s20] =	ssyncset.done $0x0  }
0xb8: {  	[sflag:s20] =	ssyncadd.s32 $0xFFFFFC00  }
0xb9: {  	_ =	swait.ge [sflag:s20], $0x400  }
0xba: {  	[sflag:s20] =	ssyncset.done $0x0  }
0xbb: {  	[sflag:s20] =	ssyncadd.s32 $0xFFFFFC00  }
0xbc: {  	_ =	swait.ge [sflag:s20], $0x400  }
0xbd: {  	[sflag:s20] =	ssyncset.done $0x0  }
0xbe: {  	[sflag:s20] =	ssyncadd.s32 $0xFFFFFC00  }
0xbf: {  	_ =	swait.ge [sflag:s20], $0x400  }
0xc0: {  	[sflag:s20] =	ssyncset.done $0x0  }
0xc1: {  	[sflag:s20] =	ssyncadd.s32 $0xFFFFFC00  }
0xc2: {  	_ =	swait.ge [sflag:s20], $0x400  }
0xc3: {  	[sflag:s20] =	ssyncset.done $0x0  }
0xc4: {  	[sflag:s20] =	ssyncadd.s32 $0xFFFFFC00  }
0xc5: {  	_ =	swait.ge [sflag:s20], $0x400  }
0xc6: {  	[sflag:s20] =	ssyncset.done $0x0  }
0xc7: {  	[sflag:s20] =	ssyncadd.s32 $0xFFFFFC00  }
0xc8: {  	_ =	swait.ge [sflag:s20], $0x400  }
0xc9: {  	[sflag:s20] =	ssyncset.done $0x0  }
0xca: {  	[sflag:s20] =	ssyncadd.s32 $0xFFFFFC00  }
0xcb: {  	s26 =	ssub.s32 $0x2, s1;
	_ =	swait.ge [sflag:s20], $0x400  }
0xcc: {  	s1 =	sshrl.u32 s26, $0x1;
	[sflag:s20] =	ssyncset.done $0x0  }
0xcd: {  	s0 =	ssub.s32 s26, s1;
	[sflag:s20] =	ssyncadd.s32 $0xFFFFFC00  }
0xce: {  	s0 =	smax.u32 s0, $0x1;
	_ =	swait.ge [sflag:s20], $0x400  }
0xcf: {  	p0 =	sne.s32 s0, $0x1;
	[sflag:s20] =	ssyncset.done $0x0  }
.Ltmp0:
0xd0: {  	[sflag:s20] =	ssyncadd.s32 $0xFFFFFC00;
	(pc) =	sbr.rel @!p0 .LBB2_2-.Ltmp0, $4  }
0xd1: {  	_ =	swait.ge [sflag:s20], $0x400  }
0xd2: {  	[sflag:s20] =	ssyncset.done $0x0  }
0xd3: {  	[sflag:s20] =	ssyncadd.s32 $0xFFFFFC00  }
0xd4: {  	s1 =	sadd.s32 $0xFFFFFFFF, s0;
	_ =	swait.ge [sflag:s20], $0x400  }
.LBB2_1:
0xd5: {  	[sflag:s20] =	ssyncset.done $0x0  }
0xd6: {  	[sflag:s20] =	ssyncadd.s32 $0xFFFFFC00  }
0xd7: {  	_ =	swait.ge [sflag:s20], $0x400  }
0xd8: {  	[sflag:s20] =	ssyncset.done $0x0  }
0xd9: {  	[sflag:s20] =	ssyncadd.s32 $0xFFFFFC00  }
0xda: {  	_ =	swait.ge [sflag:s20], $0x400  }
0xdb: {  	[sflag:s20] =	ssyncset.done $0x0  }
0xdc: {  	[sflag:s20] =	ssyncadd.s32 $0xFFFFFC00  }
0xdd: {  	_ =	swait.ge [sflag:s20], $0x400  }
0xde: {  	[sflag:s20] =	ssyncset.done $0x0  }
0xdf: {  	[sflag:s20] =	ssyncadd.s32 $0xFFFFFC00  }
0xe0: {  	_ =	swait.ge [sflag:s20], $0x400  }
0xe1: {  	[sflag:s20] =	ssyncset.done $0x0  }
0xe2: {  	s0 =	rddreg [dreg:$0x3];
	[sflag:s20] =	ssyncadd.s32 $0xFFFFFC00  }
0xe3: {  	[hbm4b:s0+s2] =	stream.linear.scatter [tilespmem:s4], [sflag:$0x2], $0x8000, $0x38;
	[tilespmem:$0x9000] =	vst v63  }
0xe4: {  	_ =	swait.ge [sflag:s3], $0x8000  }
0xe5: {  	[sflag:s3] =	ssyncset.done $0x0  }
0xe6: {  	s24 =	rddreg [dreg:$0x2];
	[sflag:s3] =	ssyncadd.s32 $0xFFFF8000  }
0xe7: {  	[tilespmem:s2], [sflag:$0x2] =	stream.linear.gather [hbm4b:s24+s2], $0x1000, $0x38;
	[tilespmem:$0x9000] =	vst v63  }
0xe8: {  	_ =	swait.ge [sflag:s3], $0x1000  }
0xe9: {  	s0 =	sld [smem:$0x7F4]  }
0xea: {  	s7 =	sld [smem:$0x7F5]  }
0xeb: {  	s8 =	sld [smem:$0x7F6]  }
0xec: {  	s9 =	sld [smem:$0x7F7]  }
0xed: {  	s10 =	sld [smem:$0x7F8]  }
0xee: {  	s11 =	rddreg [dreg:$0x1e]  }
0xef: {  	s12 =	rddreg [dreg:$0x1c]  }
0xf0: {  	s13 =	rddreg [dreg:$0x1a]  }
0xf1: {  	s14 =	rddreg [dreg:$0x18]  }
0xf2: {  	s15 =	rddreg [dreg:$0x16]  }
0xf3: {  	s16 =	rddreg [dreg:$0x14]  }
0xf4: {  	s17 =	rddreg [dreg:$0x12]  }
0xf5: {  	s18 =	rddreg [dreg:$0x10]  }
0xf6: {  	s19 =	rddreg [dreg:$0xe]  }
0xf7: {  	s21 =	rddreg [dreg:$0xc]  }
0xf8: {  	s22 =	rddreg [dreg:$0xa]  }
0xf9: {  	s23 =	rddreg [dreg:$0x5]  }
0xfa: {  	[sflag:s3] =	ssyncset.done $0x0;
	s24 =	rddreg [dreg:$0x4]  }
0xfb: {  	s25 =	rddreg [dreg:$0x6];
	[sflag:s3] =	ssyncadd.s32 $0xFFFFF000  }
0xfc: {  	[tilespmem:s4], [sflag:$0x1] =	stream.indirect.gather [hbm4b:s5+s6], $0x8, s2, s6, $0xb8;
	[tilespmem:$0x9000] =	vst v63  }
0xfd: {  	s26 =	rddreg [dreg:$0x8]  }
0xfe: {  	[tilespmem:s24], [sflag:$0x1] =	stream.indirect.gather [hbm4b:s5+s6], $0x8, s6, s6, $0xb8;
	[tilespmem:$0x9000] =	vst v63  }
0xff: {  	s24 =	rddreg [dreg:$0x7]  }
0x100: {  	[tilespmem:s25], [sflag:$0x1] =	stream.indirect.gather [hbm4b:s5+s6], $0x8, s23, s6, $0xb8;
	[tilespmem:$0x9000] =	vst v63  }
0x101: {  	s25 =	rddreg [dreg:$0x9]  }
0x102: {  	[tilespmem:s26], [sflag:$0x1] =	stream.indirect.gather [hbm4b:s5+s6], $0x8, s24, s6, $0xb8;
	[tilespmem:$0x9000] =	vst v63  }
0x103: {  	s23 =	rddreg [dreg:$0x13]  }
0x104: {  	[tilespmem:s22], [sflag:$0x1] =	stream.indirect.gather [hbm4b:s5+s6], $0x8, s25, s6, $0xb8;
	[tilespmem:$0x9000] =	vst v63  }
0x105: {  	s26 =	rddreg [dreg:$0xb]  }
0x106: {  	[tilespmem:s21], [sflag:$0x1] =	stream.indirect.gather [hbm4b:s5+s6], $0x8, s26, s6, $0xb8;
	[tilespmem:$0x9000] =	vst v63  }
0x107: {  	s25 =	rddreg [dreg:$0xd]  }
0x108: {  	[tilespmem:s19], [sflag:$0x1] =	stream.indirect.gather [hbm4b:s5+s6], $0x8, s25, s6, $0xb8;
	[tilespmem:$0x9000] =	vst v63  }
0x109: {  	s26 =	rddreg [dreg:$0xf]  }
0x10a: {  	[tilespmem:s18], [sflag:$0x1] =	stream.indirect.gather [hbm4b:s5+s6], $0x8, s26, s6, $0xb8;
	[tilespmem:$0x9000] =	vst v63  }
0x10b: {  	s22 =	rddreg [dreg:$0x11]  }
0x10c: {  	[tilespmem:s17], [sflag:$0x1] =	stream.indirect.gather [hbm4b:s5+s6], $0x8, s22, s6, $0xb8;
	[tilespmem:$0x9000] =	vst v63  }
0x10d: {  	s24 =	rddreg [dreg:$0x15]  }
0x10e: {  	[tilespmem:s16], [sflag:$0x1] =	stream.indirect.gather [hbm4b:s5+s6], $0x8, s23, s6, $0xb8;
	[tilespmem:$0x9000] =	vst v63  }
0x10f: {  	s21 =	sld [smem:$0x7F9]  }
0x110: {  	[tilespmem:s15], [sflag:$0x1] =	stream.indirect.gather [hbm4b:s5+s6], $0x8, s24, s6, $0xb8;
	[tilespmem:$0x9000] =	vst v63  }
0x111: {  	s25 =	rddreg [dreg:$0x17]  }
0x112: {  	[tilespmem:s14], [sflag:$0x1] =	stream.indirect.gather [hbm4b:s5+s6], $0x8, s25, s6, $0xb8;
	[tilespmem:$0x9000] =	vst v63  }
0x113: {  	s26 =	rddreg [dreg:$0x19]  }
0x114: {  	[tilespmem:s13], [sflag:$0x1] =	stream.indirect.gather [hbm4b:s5+s6], $0x8, s26, s6, $0xb8;
	[tilespmem:$0x9000] =	vst v63  }
0x115: {  	s17 =	rddreg [dreg:$0x1b]  }
0x116: {  	[tilespmem:s12], [sflag:$0x1] =	stream.indirect.gather [hbm4b:s5+s6], $0x8, s17, s6, $0xb8;
	[tilespmem:$0x9000] =	vst v63  }
0x117: {  	s18 =	rddreg [dreg:$0x1d]  }
0x118: {  	[tilespmem:s11], [sflag:$0x1] =	stream.indirect.gather [hbm4b:s5+s6], $0x8, s18, s6, $0xb8;
	[tilespmem:$0x9000] =	vst v63  }
0x119: {  	s19 =	rddreg [dreg:$0x1f]  }
0x11a: {  	[tilespmem:s10], [sflag:$0x1] =	stream.indirect.gather [hbm4b:s5+s6], $0x8, s19, s6, $0xb8;
	[tilespmem:$0x9000] =	vst v63  }
0x11b: {  	s22 =	sld [smem:$0x7FA]  }
0x11c: {  	[tilespmem:s9], [sflag:$0x1] =	stream.indirect.gather [hbm4b:s5+s6], $0x8, s21, s6, $0xb8;
	[tilespmem:$0x9000] =	vst v63  }
0x11d: {  	s23 =	sld [smem:$0x7FB]  }
0x11e: {  	[tilespmem:s8], [sflag:$0x1] =	stream.indirect.gather [hbm4b:s5+s6], $0x8, s22, s6, $0xb8;
	[tilespmem:$0x9000] =	vst v63  }
0x11f: {  	s24 =	sld [smem:$0x7FC]  }
0x120: {  	[tilespmem:s7], [sflag:$0x1] =	stream.indirect.gather [hbm4b:s5+s6], $0x8, s23, s6, $0xb8;
	[tilespmem:$0x9000] =	vst v63  }
0x121: {  	s25 =	sld [smem:$0x7FD]  }
0x122: {  	[tilespmem:s0], [sflag:$0x1] =	stream.indirect.gather [hbm4b:s5+s6], $0x8, s24, s6, $0xb8;
	[tilespmem:$0x9000] =	vst v63  }
0x123: {  	s26 =	simm.s32 $0x6000  }
0x124: {  	[tilespmem:s26], [sflag:$0x1] =	stream.indirect.gather [hbm4b:s5+s6], $0x8, s25, s6, $0xb8;
	[tilespmem:$0x9000] =	vst v63  }
0x125: {  	s9 =	simm.s32 $0x6400;
	s8 =	simm.s32 $0xA80  }
0x126: {  	[tilespmem:s9], [sflag:$0x1] =	stream.indirect.gather [hbm4b:s5+s6], $0x8, s8, s6, $0xb8;
	[tilespmem:$0x9000] =	vst v63  }
0x127: {  	s11 =	simm.s32 $0x6800;
	s10 =	simm.s32 $0xB00  }
0x128: {  	[tilespmem:s11], [sflag:$0x1] =	stream.indirect.gather [hbm4b:s5+s6], $0x8, s10, s6, $0xb8;
	[tilespmem:$0x9000] =	vst v63  }
0x129: {  	s13 =	simm.s32 $0x6C00;
	s12 =	simm.s32 $0xB80  }
0x12a: {  	[tilespmem:s13], [sflag:$0x1] =	stream.indirect.gather [hbm4b:s5+s6], $0x8, s12, s6, $0xb8;
	[tilespmem:$0x9000] =	vst v63  }
0x12b: {  	s15 =	simm.s32 $0x7000;
	s14 =	simm.s32 $0xC00  }
0x12c: {  	[tilespmem:s15], [sflag:$0x1] =	stream.indirect.gather [hbm4b:s5+s6], $0x8, s14, s6, $0xb8;
	[tilespmem:$0x9000] =	vst v63  }
0x12d: {  	s16 =	simm.s32 $0xC80;
	s17 =	simm.s32 $0x7400  }
0x12e: {  	[tilespmem:s17], [sflag:$0x1] =	stream.indirect.gather [hbm4b:s5+s6], $0x8, s16, s6, $0xb8;
	[tilespmem:$0x9000] =	vst v63  }
0x12f: {  	s18 =	simm.s32 $0xD00;
	s19 =	simm.s32 $0x7800  }
0x130: {  	[tilespmem:s19], [sflag:$0x1] =	stream.indirect.gather [hbm4b:s5+s6], $0x8, s18, s6, $0xb8;
	[tilespmem:$0x9000] =	vst v63  }
0x131: {  	s21 =	simm.s32 $0xD80;
	s22 =	simm.s32 $0x7C00  }
0x132: {  	[tilespmem:s22], [sflag:$0x1] =	stream.indirect.gather [hbm4b:s5+s6], $0x8, s21, s6, $0xb8;
	[tilespmem:$0x9000] =	vst v63  }
0x133: {  	s23 =	simm.s32 $0xE00;
	s24 =	simm.s32 $0x8000  }
0x134: {  	[tilespmem:s24], [sflag:$0x1] =	stream.indirect.gather [hbm4b:s5+s6], $0x8, s23, s6, $0xb8;
	[tilespmem:$0x9000] =	vst v63  }
0x135: {  	s25 =	simm.s32 $0xE80;
	s26 =	simm.s32 $0x8400  }
0x136: {  	[tilespmem:s26], [sflag:$0x1] =	stream.indirect.gather [hbm4b:s5+s6], $0x8, s25, s6, $0xb8;
	[tilespmem:$0x9000] =	vst v63  }
0x137: {  	_ = 	snop  }
0x138: {  	[tilespmem:s29], [sflag:$0x1] =	stream.indirect.gather [hbm4b:s5+s6], $0x8, s28, s6, $0xb8;
	[tilespmem:$0x9000] =	vst v63  }
0x139: {  	_ = 	snop  }
0x13a: {  	[tilespmem:s31], [sflag:$0x1] =	stream.indirect.gather [hbm4b:s5+s6], $0x8, s30, s6, $0xb8;
	[tilespmem:$0x9000] =	vst v63  }
0x13b: {  	_ =	swait.ge [sflag:s20], $0x400  }
0x13c: {  	[sflag:s20] =	ssyncset.done $0x0  }
0x13d: {  	[sflag:s20] =	ssyncadd.s32 $0xFFFFFC00  }
0x13e: {  	_ =	swait.ge [sflag:s20], $0x400  }
0x13f: {  	[sflag:s20] =	ssyncset.done $0x0  }
0x140: {  	[sflag:s20] =	ssyncadd.s32 $0xFFFFFC00  }
0x141: {  	_ =	swait.ge [sflag:s20], $0x400  }
0x142: {  	[sflag:s20] =	ssyncset.done $0x0  }
0x143: {  	[sflag:s20] =	ssyncadd.s32 $0xFFFFFC00  }
0x144: {  	_ =	swait.ge [sflag:s20], $0x400  }
0x145: {  	[sflag:s20] =	ssyncset.done $0x0  }
0x146: {  	[sflag:s20] =	ssyncadd.s32 $0xFFFFFC00  }
0x147: {  	_ =	swait.ge [sflag:s20], $0x400  }
0x148: {  	[sflag:s20] =	ssyncset.done $0x0  }
0x149: {  	[sflag:s20] =	ssyncadd.s32 $0xFFFFFC00  }
0x14a: {  	_ =	swait.ge [sflag:s20], $0x400  }
0x14b: {  	[sflag:s20] =	ssyncset.done $0x0  }
0x14c: {  	[sflag:s20] =	ssyncadd.s32 $0xFFFFFC00  }
0x14d: {  	_ =	swait.ge [sflag:s20], $0x400  }
0x14e: {  	[sflag:s20] =	ssyncset.done $0x0  }
0x14f: {  	[sflag:s20] =	ssyncadd.s32 $0xFFFFFC00  }
0x150: {  	_ =	swait.ge [sflag:s20], $0x400  }
0x151: {  	[sflag:s20] =	ssyncset.done $0x0  }
0x152: {  	[sflag:s20] =	ssyncadd.s32 $0xFFFFFC00  }
0x153: {  	_ =	swait.ge [sflag:s20], $0x400  }
0x154: {  	[sflag:s20] =	ssyncset.done $0x0  }
0x155: {  	[sflag:s20] =	ssyncadd.s32 $0xFFFFFC00  }
0x156: {  	_ =	swait.ge [sflag:s20], $0x400  }
0x157: {  	[sflag:s20] =	ssyncset.done $0x0  }
0x158: {  	[sflag:s20] =	ssyncadd.s32 $0xFFFFFC00  }
0x159: {  	_ =	swait.ge [sflag:s20], $0x400  }
0x15a: {  	[sflag:s20] =	ssyncset.done $0x0  }
0x15b: {  	[sflag:s20] =	ssyncadd.s32 $0xFFFFFC00  }
0x15c: {  	_ =	swait.ge [sflag:s20], $0x400  }
0x15d: {  	[sflag:s20] =	ssyncset.done $0x0  }
0x15e: {  	[sflag:s20] =	ssyncadd.s32 $0xFFFFFC00  }
0x15f: {  	_ =	swait.ge [sflag:s20], $0x400  }
0x160: {  	[sflag:s20] =	ssyncset.done $0x0  }
0x161: {  	[sflag:s20] =	ssyncadd.s32 $0xFFFFFC00  }
0x162: {  	_ =	swait.ge [sflag:s20], $0x400  }
0x163: {  	[sflag:s20] =	ssyncset.done $0x0  }
0x164: {  	[sflag:s20] =	ssyncadd.s32 $0xFFFFFC00  }
0x165: {  	_ =	swait.ge [sflag:s20], $0x400  }
0x166: {  	[sflag:s20] =	ssyncset.done $0x0  }
0x167: {  	[sflag:s20] =	ssyncadd.s32 $0xFFFFFC00  }
0x168: {  	_ =	swait.ge [sflag:s20], $0x400  }
0x169: {  	[sflag:s20] =	ssyncset.done $0x0  }
0x16a: {  	[sflag:s20] =	ssyncadd.s32 $0xFFFFFC00  }
0x16b: {  	_ =	swait.ge [sflag:s20], $0x400  }
0x16c: {  	[sflag:s20] =	ssyncset.done $0x0  }
0x16d: {  	[sflag:s20] =	ssyncadd.s32 $0xFFFFFC00  }
0x16e: {  	_ =	swait.ge [sflag:s20], $0x400  }
0x16f: {  	[sflag:s20] =	ssyncset.done $0x0  }
0x170: {  	[sflag:s20] =	ssyncadd.s32 $0xFFFFFC00  }
0x171: {  	_ =	swait.ge [sflag:s20], $0x400  }
0x172: {  	[sflag:s20] =	ssyncset.done $0x0  }
0x173: {  	[sflag:s20] =	ssyncadd.s32 $0xFFFFFC00  }
0x174: {  	_ =	swait.ge [sflag:s20], $0x400  }
0x175: {  	[sflag:s20] =	ssyncset.done $0x0  }
0x176: {  	[sflag:s20] =	ssyncadd.s32 $0xFFFFFC00  }
0x177: {  	_ =	swait.ge [sflag:s20], $0x400  }
0x178: {  	[sflag:s20] =	ssyncset.done $0x0  }
0x179: {  	[sflag:s20] =	ssyncadd.s32 $0xFFFFFC00  }
0x17a: {  	_ =	swait.ge [sflag:s20], $0x400  }
0x17b: {  	[sflag:s20] =	ssyncset.done $0x0  }
0x17c: {  	[sflag:s20] =	ssyncadd.s32 $0xFFFFFC00  }
0x17d: {  	_ =	swait.ge [sflag:s20], $0x400  }
0x17e: {  	[sflag:s20] =	ssyncset.done $0x0  }
0x17f: {  	[sflag:s20] =	ssyncadd.s32 $0xFFFFFC00  }
0x180: {  	_ =	swait.ge [sflag:s20], $0x400  }
0x181: {  	[sflag:s20] =	ssyncset.done $0x0  }
0x182: {  	[sflag:s20] =	ssyncadd.s32 $0xFFFFFC00  }
0x183: {  	_ =	swait.ge [sflag:s20], $0x400  }
0x184: {  	[sflag:s20] =	ssyncset.done $0x0  }
0x185: {  	[sflag:s20] =	ssyncadd.s32 $0xFFFFFC00  }
0x186: {  	_ =	swait.ge [sflag:s20], $0x400  }
0x187: {  	p0 =	sne.s32 s1, $0x1;
	[sflag:s20] =	ssyncset.done $0x0  }
.Ltmp1:
0x188: {  	[sflag:s20] =	ssyncadd.s32 $0xFFFFFC00;
	(pc) =	sbr.rel @p0 .LBB2_1-.Ltmp1, $4  }
0x189: {  	_ =	swait.ge [sflag:s20], $0x400  }
0x18a: {  	[sflag:s20] =	ssyncset.done $0x0  }
0x18b: {  	[sflag:s20] =	ssyncadd.s32 $0xFFFFFC00  }
0x18c: {  	s1 =	sadd.s32 $0xFFFFFFFF, s1;
	_ =	swait.ge [sflag:s20], $0x400  }
.LBB2_2:
0x18d: {  	[sflag:s20] =	ssyncset.done $0x0  }
0x18e: {  	[sflag:s20] =	ssyncadd.s32 $0xFFFFFC00  }
0x18f: {  	_ =	swait.ge [sflag:s20], $0x400  }
0x190: {  	[sflag:s20] =	ssyncset.done $0x0  }
0x191: {  	[sflag:s20] =	ssyncadd.s32 $0xFFFFFC00  }
0x192: {  	_ =	swait.ge [sflag:s20], $0x400  }
0x193: {  	[sflag:s20] =	ssyncset.done $0x0  }
0x194: {  	[sflag:s20] =	ssyncadd.s32 $0xFFFFFC00  }
0x195: {  	_ =	swait.ge [sflag:s20], $0x400  }
0x196: {  	[sflag:s20] =	ssyncset.done $0x0  }
0x197: {  	[sflag:s20] =	ssyncadd.s32 $0xFFFFFC00  }
0x198: {  	_ =	swait.ge [sflag:s20], $0x400  }
0x199: {  	[sflag:s20] =	ssyncset.done $0x0  }
0x19a: {  	s0 =	rddreg [dreg:$0x3];
	[sflag:s20] =	ssyncadd.s32 $0xFFFFFC00  }
0x19b: {  	[hbm4b:s0+s2] =	stream.linear.scatter [tilespmem:s4], [sflag:$0x2], $0x8000, $0x38;
	[tilespmem:$0x9000] =	vst v63  }
0x19c: {  	_ =	swait.ge [sflag:s3], $0x8000  }
0x19d: {  	[sflag:s3] =	ssyncset.done $0x0  }
0x19e: {  	[sflag:s3] =	ssyncadd.s32 $0xFFFF8000  }
0x19f: {  	_ =	sfence.sel $0x180000  }
0x1a0: {  	[bflag:$0x0] =	sbarrier.arrive $0xFFFF  }
0x1a1: {  	_ =	strace $0x90000047  }
0x1a2: {  	s31 =	stileid.u32;
	[bflag:$0x2] =	sbarrier.arrive $0xFFFF  }
0x1a3: {  	p0 =	sne.s32 s31, $0x0;
	s0 =	rddreg [dreg:$0x1]  }
0x1a4: {  	s0 =	sadd.s32 @!p0 $0x100000, s0  }
0x1a5: {  	[sflag:s0] =	ssyncadd.tile.s32 @!p0 $0x1;
	_ =	shalt  }
.Lfunc_end2:
_tile_overlayer_lowered:
.L_overlay_start_2:
0x1a6: {  	(tag) =	ssettag $0x2  }
0x1a7: {  	s0 =	rddreg [dreg:$0x0];
	s2 =	stileid.u32  }
0x1a8: {  	s1 =	rddreg [dreg:$0x1];
	p0 =	sne.s32 s2, $0x0  }
0x1a9: {  	s3 =	rddreg [dreg:$0x2];
	[bflag:$0x3] =	sbarrier.arrive $0xFFFF;
	s2 =	simm.s32 @!p0 $0x1C02  }
0x1aa: {  	[timem:s3], [sflag:s2] =	dma.local @!p0 [hbm:s0], s1  }
0x1ab: {  	s0 =	simm.s32 @!p0 $0x2  }
0x1ac: {  	_ =	swait.ge @!p0 [sflag:s0], s1  }
0x1ad: {  	s1 =	ssub.s32 @!p0 $0x0, s1;
	[sflag:s0] =	ssyncset.done @!p0 $0x0  }
0x1ae: {  	[sflag:s0] =	ssyncadd.s32 @!p0 s1  }
0x1af: {  	[bflag:$0x3] =	sbarrier.arrive $0xFFFF  }
0x1b0: {  	_ =	shalt  }

</sc_bundles>
